<compile_context>
chip_gen: v7x
topology: tpu7x:2x2x1
jax: 0.10.2.dev20260603
libtpu: 0.0.44.dev20260713+nightly
codegen_flags: <defaults>
</compile_context>

<pallas_src>
import functools

import jax
import jax.numpy as jnp
from jax.experimental import pallas as pl
from jax.experimental.pallas import tpu as pltpu

_ALPHA = 1.0
_POS_IOU, _NEG_IOU = 0.5, 0.4
_VAR = (0.1, 0.1, 0.2, 0.2)

_A_PAD = 25600
_ROWS = _A_PAD // 128
_BB = 5120


def _smooth_l1(x):
    ax = jnp.abs(x)
    return jnp.where(ax < 1.0, 0.5 * x * x, ax - 0.5)


def _assign_body(n_real, g, anc_ref, bbox_ref, gtb_ref, gtl_ref,
                 cls_ref, v_ref, p_ref, sl_ref):
    ax = anc_ref[0]
    ay = anc_ref[1]
    aw = anc_ref[2]
    ah = anc_ref[3]

    a_x1 = ax - aw * 0.5
    a_y1 = ay - ah * 0.5
    a_x2 = ax + aw * 0.5
    a_y2 = ay + ah * 0.5
    area_a = jnp.maximum(a_x2 - a_x1, 0.0) * jnp.maximum(a_y2 - a_y1, 0.0)

    idx = (jax.lax.broadcasted_iota(jnp.int32, ax.shape, 0) * 128
           + jax.lax.broadcasted_iota(jnp.int32, ax.shape, 1))
    in_range = idx < n_real

    best = jnp.full(ax.shape, -1.0, jnp.float32)
    m_x1 = jnp.zeros(ax.shape, jnp.float32)
    m_y1 = jnp.zeros(ax.shape, jnp.float32)
    m_x2 = jnp.zeros(ax.shape, jnp.float32)
    m_y2 = jnp.zeros(ax.shape, jnp.float32)
    m_lb = jnp.zeros(ax.shape, jnp.float32)

    for j in range(g):
        gx1 = gtb_ref[0, j, 0]
        gy1 = gtb_ref[0, j, 1]
        gx2 = gtb_ref[0, j, 2]
        gy2 = gtb_ref[0, j, 3]
        lbj = gtl_ref[0, 0, j].astype(jnp.float32)
        ab_j = (jnp.maximum(gx2 - gx1, 0.0) * jnp.maximum(gy2 - gy1, 0.0))
        w = jnp.minimum(a_x2, gx2) - jnp.maximum(a_x1, gx1)
        h = jnp.minimum(a_y2, gy2) - jnp.maximum(a_y1, gy1)
        inter = jnp.maximum(w, 0.0) * jnp.maximum(h, 0.0)
        union = ((area_a + ab_j) - inter) + 1e-9
        iou_j = inter / union
        upd = iou_j > best
        best = jnp.where(upd, iou_j, best)
        m_x1 = jnp.where(upd, gx1, m_x1)
        m_y1 = jnp.where(upd, gy1, m_y1)
        m_x2 = jnp.where(upd, gx2, m_x2)
        m_y2 = jnp.where(upd, gy2, m_y2)
        m_lb = jnp.where(upd, lbj, m_lb)

    pos = best >= _POS_IOU
    ign = (best > _NEG_IOU) & (~pos)
    pos_f = jnp.where(pos & in_range, 1.0, 0.0)
    valid_f = jnp.where((~ign) & in_range, 1.0, 0.0)

    cls_t = jnp.where(pos, m_lb.astype(jnp.int32),
                      jnp.where(ign, -1, 0))
    cls_ref[0] = jnp.where(in_range, cls_t, -1)

    gx = (m_x1 + m_x2) * 0.5
    gy = (m_y1 + m_y2) * 0.5
    gw = jnp.maximum(m_x2 - m_x1, 1e-6)
    gh = jnp.maximum(m_y2 - m_y1, 1e-6)
    dx = (gx - ax) / (aw * _VAR[0])
    dy = (gy - ay) / (ah * _VAR[1])
    dw = jnp.log(gw / aw) / _VAR[2]
    dh = jnp.log(gh / ah) / _VAR[3]

    sl = (_smooth_l1(bbox_ref[0, 0] - dx) + _smooth_l1(bbox_ref[0, 1] - dy)
          + _smooth_l1(bbox_ref[0, 2] - dw) + _smooth_l1(bbox_ref[0, 3] - dh))

    v_ref[0] = jnp.sum(valid_f, keepdims=True)
    p_ref[0] = jnp.sum(pos_f, keepdims=True)
    sl_ref[0] = jnp.sum(sl * pos_f, keepdims=True)


def _ce_body(nblk, alpha, logits_ref, cls_ref, v_ref, p_ref, sl_ref,
             out_ref, acc_ref):
    b = pl.program_id(0)
    i = pl.program_id(1)

    x = logits_ref[0]
    s = jnp.sum(jnp.exp(x), axis=1, keepdims=True)
    ls = jnp.log(s)

    tc = jnp.reshape(cls_ref[0, 0], (x.shape[0], 1))
    tgt = jnp.maximum(tc, 0)
    iot = jax.lax.broadcasted_iota(jnp.int32, x.shape, 1)
    gath = jnp.sum(jnp.where(iot == tgt, x, 0.0), axis=1, keepdims=True)
    contrib = jnp.where(tc >= 0, ls - gath, 0.0)

    prev = jnp.where(i == 0, jnp.zeros_like(contrib), acc_ref[...])
    acc_ref[...] = prev + contrib

    @pl.when(i == nblk - 1)
    def _finalize():
        ce_sum = jnp.sum(acc_ref[...], keepdims=True)
        v = jnp.sum(v_ref[0], keepdims=True)
        p = jnp.sum(p_ref[0], keepdims=True)
        sl = jnp.sum(sl_ref[0], keepdims=True)
        cls_mean = jnp.where(v > 0, ce_sum / jnp.maximum(v, 1.0), 0.0)
        reg_mean = jnp.where(p > 0, sl / jnp.maximum(p * 4.0, 1.0), 0.0)
        img = cls_mean + alpha * reg_mean
        prev_t = jnp.where(b == 0, jnp.zeros((1, 1), jnp.float32),
                           out_ref[...])
        out_ref[...] = prev_t + img


@jax.jit
def kernel(cls_logits, bbox_regs, anchors_cxcywh, gt_boxes, gt_labels):
    B, A, C = cls_logits.shape
    G = gt_boxes.shape[1]
    pad = _A_PAD - A

    anc_pad = jnp.concatenate(
        [anchors_cxcywh,
         jnp.broadcast_to(jnp.array([[-100.0, -100.0, 1.0, 1.0]],
                                    jnp.float32), (pad, 4))], axis=0)
    anc_p = anc_pad.T.reshape(4, _ROWS, 128)
    bb_pad = jnp.pad(bbox_regs, ((0, 0), (0, pad), (0, 0)))
    perm = (4 * jnp.arange(_A_PAD)[None, :]
            + jnp.arange(4)[:, None]).reshape(-1)
    bb_p = jnp.take(bb_pad.reshape(B, 4 * _A_PAD), perm,
                    axis=1).reshape(B, 4, _ROWS, 128)
    gtl = gt_labels.astype(jnp.int32).reshape(B, 1, G)

    cls_t, v_s, p_s, sl_s = pl.pallas_call(
        functools.partial(_assign_body, A, G),
        grid=(B,),
        in_specs=[
            pl.BlockSpec((4, _ROWS, 128), lambda b: (0, 0, 0)),
            pl.BlockSpec((1, 4, _ROWS, 128), lambda b: (b, 0, 0, 0)),
            pl.BlockSpec((1, G, 4), lambda b: (b, 0, 0),
                         memory_space=pltpu.SMEM),
            pl.BlockSpec((1, 1, G), lambda b: (b, 0, 0),
                         memory_space=pltpu.SMEM),
        ],
        out_specs=[
            pl.BlockSpec((1, _ROWS, 128), lambda b: (b, 0, 0)),
            pl.BlockSpec((1, 1, 1), lambda b: (b, 0, 0)),
            pl.BlockSpec((1, 1, 1), lambda b: (b, 0, 0)),
            pl.BlockSpec((1, 1, 1), lambda b: (b, 0, 0)),
        ],
        out_shape=[
            jax.ShapeDtypeStruct((B, _ROWS, 128), jnp.int32),
            jax.ShapeDtypeStruct((B, 1, 1), jnp.float32),
            jax.ShapeDtypeStruct((B, 1, 1), jnp.float32),
            jax.ShapeDtypeStruct((B, 1, 1), jnp.float32),
        ],
    )(anc_p, bb_p, gt_boxes, gtl)

    nblk = _A_PAD // _BB
    cls_row = cls_t.reshape(B, nblk, 1, _BB)

    out = pl.pallas_call(
        functools.partial(_ce_body, nblk, _ALPHA),
        grid=(B, nblk),
        in_specs=[
            pl.BlockSpec((1, _BB, C), lambda b, i: (b, i, 0)),
            pl.BlockSpec((1, 1, 1, _BB), lambda b, i: (b, i, 0, 0)),
            pl.BlockSpec((1, 1, 1), lambda b, i: (b, 0, 0)),
            pl.BlockSpec((1, 1, 1), lambda b, i: (b, 0, 0)),
            pl.BlockSpec((1, 1, 1), lambda b, i: (b, 0, 0)),
        ],
        out_specs=pl.BlockSpec((1, 1), lambda b, i: (0, 0)),
        out_shape=jax.ShapeDtypeStruct((1, 1), jnp.float32),
        scratch_shapes=[pltpu.VMEM((_BB, 1), jnp.float32)],
    )(cls_logits, cls_row, v_s, p_s, sl_s)
    return out[0, 0]

# --- scband reference (transcript-rebuilt; emitter-appended) ---
"""Pipeline reference for scband-ssdloss-81097572483724 (READ-ONLY COPY).

The authoritative reference and input builder live on the scoring server;
editing this copy changes nothing except your own understanding.
"""

import jax, jax.numpy as jnp
import numpy as np

B, A, C, G = 16, 25000, 81, 32
ALPHA = 1.0
POS_IOU, NEG_IOU = 0.5, 0.4
VAR = (0.1, 0.1, 0.2, 0.2)


def xyxy_to_cxcywh(xyxy):
    x1, y1, x2, y2 = xyxy[..., 0], xyxy[..., 1], xyxy[..., 2], xyxy[..., 3]
    cx = (x1 + x2) / 2
    cy = (y1 + y2) / 2
    w = jnp.clip(x2 - x1, 1e-06, None)
    h = jnp.clip(y2 - y1, 1e-06, None)
    return jnp.stack([cx, cy, w, h], axis=-1)


def encode_ltrb_to_offsets(gt_xyxy, anc_cxcywh):
    g = xyxy_to_cxcywh(gt_xyxy)
    gx, gy, gw, gh = g[..., 0], g[..., 1], g[..., 2], g[..., 3]
    ax, ay, aw, ah = anc_cxcywh[..., 0], anc_cxcywh[..., 1], anc_cxcywh[..., 2], anc_cxcywh[..., 3]
    dx = (gx - ax) / (aw * VAR[0])
    dy = (gy - ay) / (ah * VAR[1])
    dw = jnp.log(gw / aw) / VAR[2]
    dh = jnp.log(gh / ah) / VAR[3]
    return jnp.stack([dx, dy, dw, dh], axis=-1)


def iou_xyxy(a, b):
    tl = jnp.maximum(a[:, None, :2], b[None, :, :2])
    br = jnp.minimum(a[:, None, 2:], b[None, :, 2:])
    wh = jnp.clip(br - tl, 0.0, None)
    inter = wh[..., 0] * wh[..., 1]
    area_a = jnp.clip(a[:, 2] - a[:, 0], 0.0, None) * jnp.clip(a[:, 3] - a[:, 1], 0.0, None)
    area_b = jnp.clip(b[:, 2] - b[:, 0], 0.0, None) * jnp.clip(b[:, 3] - b[:, 1], 0.0, None)
    union = area_a[:, None] + area_b[None, :] - inter + 1e-09
    return inter / union


def assign_anchors(anchors_cxcywh, gts_xyxy, gts_labels):
    ax, ay, aw, ah = anchors_cxcywh[..., 0], anchors_cxcywh[..., 1], anchors_cxcywh[..., 2], anchors_cxcywh[..., 3]
    anc_xyxy = jnp.stack([ax - aw / 2, ay - ah / 2, ax + aw / 2, ay + ah / 2], axis=-1)
    iou = iou_xyxy(anc_xyxy, gts_xyxy)
    iou_max = iou.max(axis=1)
    iou_idx = jnp.argmax(iou, axis=1)
    pos = iou_max >= POS_IOU
    ign = (iou_max > NEG_IOU) & (~pos)
    matched_gt = jnp.take(gts_xyxy, iou_idx, axis=0)
    matched_lb = jnp.take(gts_labels, iou_idx, axis=0)
    reg_all = encode_ltrb_to_offsets(matched_gt, anchors_cxcywh)
    cls_t = jnp.where(pos, matched_lb, jnp.where(ign, -1, 0))
    reg_t = jnp.where(pos[:, None], reg_all, 0.0)
    return cls_t, reg_t, pos


def smooth_l1(x):
    ax = jnp.abs(x)
    return jnp.where(ax < 1.0, 0.5 * x * x, ax - 0.5)


def setup_inputs(seed: int = 0) -> dict:
    key = jax.random.key(seed)
    k1, k2, k3, k4, k5, k6, k7 = jax.random.split(key, 7)
    cls_logits = jax.random.normal(k1, (B, A, C), dtype=jnp.float32)
    bbox_regs = jax.random.normal(k2, (B, A, 4), dtype=jnp.float32)
    anc_cxcy = jax.random.uniform(k3, (A, 2), dtype=jnp.float32)
    anc_wh = jax.random.uniform(k4, (A, 2), dtype=jnp.float32) * 0.3 + 0.02
    anchors_cxcywh = jnp.concatenate([anc_cxcy, anc_wh], axis=-1)
    xy1 = jax.random.uniform(k5, (B, G, 2), dtype=jnp.float32) * 0.7
    wh = jax.random.uniform(k6, (B, G, 2), dtype=jnp.float32) * 0.25 + 0.02
    gt_boxes = jnp.concatenate([xy1, jnp.clip(xy1 + wh, None, 1.0)], axis=-1)
    gt_labels = jax.random.randint(k7, (B, G), 1, C)
    return {"cls_logits": cls_logits, "bbox_regs": bbox_regs, "anchors_cxcywh": anchors_cxcywh, "gt_boxes": gt_boxes, "gt_labels": gt_labels}


def reference(cls_logits, bbox_regs, anchors_cxcywh, gt_boxes, gt_labels):
    cls_t, reg_t, pos = jax.vmap(assign_anchors, in_axes=(None, 0, 0))(anchors_cxcywh, gt_boxes, gt_labels)
    cls_t = jax.lax.stop_gradient(cls_t)
    reg_t = jax.lax.stop_gradient(reg_t)
    pos = jax.lax.stop_gradient(pos)
    valid = cls_t >= 0
    logp = jax.nn.log_softmax(cls_logits, axis=-1)
    tgt = jnp.clip(cls_t, 0, None)
    ce = -jnp.take_along_axis(logp, tgt[..., None], axis=-1)[..., 0]
    vcount = valid.sum(axis=1).astype(jnp.float32)
    cls_mean = jnp.where(vcount > 0, (ce * valid).sum(axis=1) / jnp.maximum(vcount, 1.0), 0.0)
    diff = bbox_regs - reg_t
    sl = smooth_l1(diff) * pos[..., None]
    pcount = pos.sum(axis=1).astype(jnp.float32)
    reg_mean = jnp.where(pcount > 0, sl.sum(axis=(1, 2)) / jnp.maximum(pcount * 4.0, 1.0), 0.0)
    total_cls = cls_mean.sum()
    total_reg = reg_mean.sum()
    loss = total_cls + ALPHA * total_reg
    return loss

if __name__ == "__main__":
    import jax
    _d = setup_inputs()
    print(jax.jit(kernel)(*tuple(_d.values())))

</pallas_src>

<mosaic_0001>
module attributes {stable_mosaic.version = 14 : i64} {
  func.func @_assign_body(%arg0: i32, %arg1: memref<4x200x128xf32, #tpu.memory_space<vmem>>, %arg2: memref<1x4x200x128xf32, #tpu.memory_space<vmem>>, %arg3: memref<1x32x4xf32, #tpu.memory_space<smem>>, %arg4: memref<1x1x32xi32, #tpu.memory_space<smem>>, %arg5: memref<1x200x128xi32, #tpu.memory_space<vmem>>, %arg6: memref<1x1x1xf32, #tpu.memory_space<vmem>>, %arg7: memref<1x1x1xf32, #tpu.memory_space<vmem>>, %arg8: memref<1x1x1xf32, #tpu.memory_space<vmem>>) attributes {dimension_semantics = [#tpu.dimension_semantics<arbitrary>], iteration_bounds = array<i64: 16>, scalar_prefetch = 0 : i64, scratch_operands = 0 : i64, tpu.core_type = #tpu.core_type<tc>, window_params = [{pipeline_mode = #tpu.pipeline_mode<synchronous>, transform_indices = @transform_0, window_bounds = array<i64: 4, 200, 128>}, {transform_indices = @transform_1, window_bounds = array<i64: 1, 4, 200, 128>}, {transform_indices = @transform_2, window_bounds = array<i64: 1, 32, 4>}, {transform_indices = @transform_3, window_bounds = array<i64: 1, 1, 32>}, {transform_indices = @transform_4, window_bounds = array<i64: 1, 200, 128>}, {transform_indices = @transform_5, window_bounds = array<i64: 1, 1, 1>}, {transform_indices = @transform_6, window_bounds = array<i64: 1, 1, 1>}, {transform_indices = @transform_7, window_bounds = array<i64: 1, 1, 1>}]} {
    %get3A = arith.constant 0 : index
    %get3A_0 = arith.constant 0 : index
    %get3A_1 = arith.constant 0 : index
    %get3A_2 = vector.load %arg1[%get3A, %get3A_0, %get3A_1] : memref<4x200x128xf32, #tpu.memory_space<vmem>>, vector<1x200x128xf32>
    %get3A_3 = vector.shape_cast %get3A_2 : vector<1x200x128xf32> to vector<200x128xf32>
    %get3A_4 = arith.constant 1 : index
    %get3A_5 = arith.constant 0 : index
    %get3A_6 = arith.constant 0 : index
    %get3A_7 = vector.load %arg1[%get3A_4, %get3A_5, %get3A_6] : memref<4x200x128xf32, #tpu.memory_space<vmem>>, vector<1x200x128xf32>
    %get3A_8 = vector.shape_cast %get3A_7 : vector<1x200x128xf32> to vector<200x128xf32>
    %get3A_9 = arith.constant 2 : index
    %get3A_10 = arith.constant 0 : index
    %get3A_11 = arith.constant 0 : index
    %get3A_12 = vector.load %arg1[%get3A_9, %get3A_10, %get3A_11] : memref<4x200x128xf32, #tpu.memory_space<vmem>>, vector<1x200x128xf32>
    %get3A_13 = vector.shape_cast %get3A_12 : vector<1x200x128xf32> to vector<200x128xf32>
    %get3A_14 = arith.constant 3 : index
    %get3A_15 = arith.constant 0 : index
    %get3A_16 = arith.constant 0 : index
    %get3A_17 = vector.load %arg1[%get3A_14, %get3A_15, %get3A_16] : memref<4x200x128xf32, #tpu.memory_space<vmem>>, vector<1x200x128xf32>
    %get3A_18 = vector.shape_cast %get3A_17 : vector<1x200x128xf32> to vector<200x128xf32>
    %mul3A = arith.constant 5.000000e-01 : f32
    %mul3A_19 = vector.broadcast %mul3A : f32 to vector<200x128xf32>
    %mul3A_20 = arith.mulf %get3A_13, %mul3A_19 : vector<200x128xf32>
    %sub3A = arith.subf %get3A_3, %mul3A_20 : vector<200x128xf32>
    %mul3A_21 = arith.constant 5.000000e-01 : f32
    %mul3A_22 = vector.broadcast %mul3A_21 : f32 to vector<200x128xf32>
    %mul3A_23 = arith.mulf %get3A_18, %mul3A_22 : vector<200x128xf32>
    %sub3A_24 = arith.subf %get3A_8, %mul3A_23 : vector<200x128xf32>
    %mul3A_25 = arith.constant 5.000000e-01 : f32
    %mul3A_26 = vector.broadcast %mul3A_25 : f32 to vector<200x128xf32>
    %mul3A_27 = arith.mulf %get3A_13, %mul3A_26 : vector<200x128xf32>
    %add3A = arith.addf %get3A_3, %mul3A_27 : vector<200x128xf32>
    %mul3A_28 = arith.constant 5.000000e-01 : f32
    %mul3A_29 = vector.broadcast %mul3A_28 : f32 to vector<200x128xf32>
    %mul3A_30 = arith.mulf %get3A_18, %mul3A_29 : vector<200x128xf32>
    %add3A_31 = arith.addf %get3A_8, %mul3A_30 : vector<200x128xf32>
    %sub3A_32 = arith.subf %add3A, %sub3A : vector<200x128xf32>
    %max3A = arith.constant 0.000000e+00 : f32
    %max3A_33 = vector.broadcast %max3A : f32 to vector<200x128xf32>
    %max3A_34 = arith.maximumf %sub3A_32, %max3A_33 : vector<200x128xf32>
    %sub3A_35 = arith.subf %add3A_31, %sub3A_24 : vector<200x128xf32>
    %max3A_36 = arith.constant 0.000000e+00 : f32
    %max3A_37 = vector.broadcast %max3A_36 : f32 to vector<200x128xf32>
    %max3A_38 = arith.maximumf %sub3A_35, %max3A_37 : vector<200x128xf32>
    %mul3A_39 = arith.mulf %max3A_34, %max3A_38 : vector<200x128xf32>
    %iota3A = tpu.iota {dimensions = array<i32: 0>} : vector<200x128xi32>
    %mul3A_40 = arith.constant 128 : i32
    %mul3A_41 = vector.broadcast %mul3A_40 : i32 to vector<200x128xi32>
    %mul3A_42 = arith.muli %iota3A, %mul3A_41 : vector<200x128xi32>
    %iota3A_43 = tpu.iota {dimensions = array<i32: 1>} : vector<200x128xi32>
    %add3A_44 = arith.addi %mul3A_42, %iota3A_43 : vector<200x128xi32>
    %lt3A = arith.constant 25000 : i32
    %lt3A_45 = vector.broadcast %lt3A : i32 to vector<200x128xi32>
    %lt3A_46 = arith.cmpi slt, %add3A_44, %lt3A_45 : vector<200x128xi32>
    %broadcast_in_dim3A = arith.constant -1.000000e+00 : f32
    %broadcast_in_dim3A_47 = vector.broadcast %broadcast_in_dim3A : f32 to vector<200x128xf32>
    %broadcast_in_dim3A_48 = arith.constant 0.000000e+00 : f32
    %broadcast_in_dim3A_49 = vector.broadcast %broadcast_in_dim3A_48 : f32 to vector<200x128xf32>
    %broadcast_in_dim3A_50 = arith.constant 0.000000e+00 : f32
    %broadcast_in_dim3A_51 = vector.broadcast %broadcast_in_dim3A_50 : f32 to vector<200x128xf32>
    %broadcast_in_dim3A_52 = arith.constant 0.000000e+00 : f32
    %broadcast_in_dim3A_53 = vector.broadcast %broadcast_in_dim3A_52 : f32 to vector<200x128xf32>
    %broadcast_in_dim3A_54 = arith.constant 0.000000e+00 : f32
    %broadcast_in_dim3A_55 = vector.broadcast %broadcast_in_dim3A_54 : f32 to vector<200x128xf32>
    %broadcast_in_dim3A_56 = arith.constant 0.000000e+00 : f32
    %broadcast_in_dim3A_57 = vector.broadcast %broadcast_in_dim3A_56 : f32 to vector<200x128xf32>
    %get3A_58 = arith.constant 0 : index
    %get3A_59 = arith.constant 0 : index
    %get3A_60 = arith.constant 0 : index
    %get3A_61 = memref.load %arg3[%get3A_58, %get3A_59, %get3A_60] : memref<1x32x4xf32, #tpu.memory_space<smem>>
    %get3A_62 = arith.constant 0 : index
    %get3A_63 = arith.constant 0 : index
    %get3A_64 = arith.constant 1 : index
    %get3A_65 = memref.load %arg3[%get3A_62, %get3A_63, %get3A_64] : memref<1x32x4xf32, #tpu.memory_space<smem>>
    %get3A_66 = arith.constant 0 : index
    %get3A_67 = arith.constant 0 : index
    %get3A_68 = arith.constant 2 : index
    %get3A_69 = memref.load %arg3[%get3A_66, %get3A_67, %get3A_68] : memref<1x32x4xf32, #tpu.memory_space<smem>>
    %get3A_70 = arith.constant 0 : index
    %get3A_71 = arith.constant 0 : index
    %get3A_72 = arith.constant 3 : index
    %get3A_73 = memref.load %arg3[%get3A_70, %get3A_71, %get3A_72] : memref<1x32x4xf32, #tpu.memory_space<smem>>
    %get3A_74 = arith.constant 0 : index
    %get3A_75 = arith.constant 0 : index
    %get3A_76 = arith.constant 0 : index
    %get3A_77 = memref.load %arg4[%get3A_74, %get3A_75, %get3A_76] : memref<1x1x32xi32, #tpu.memory_space<smem>>
    %convert_element_type3A = arith.sitofp %get3A_77 : i32 to f32
    %sub3A_78 = arith.subf %get3A_69, %get3A_61 : f32
    %max3A_79 = arith.constant 0.000000e+00 : f32
    %max3A_80 = arith.maximumf %sub3A_78, %max3A_79 : f32
    %sub3A_81 = arith.subf %get3A_73, %get3A_65 : f32
    %max3A_82 = arith.constant 0.000000e+00 : f32
    %max3A_83 = arith.maximumf %sub3A_81, %max3A_82 : f32
    %mul3A_84 = arith.mulf %max3A_80, %max3A_83 : f32
    %min3A = vector.broadcast %get3A_69 : f32 to vector<200x128xf32>
    %min3A_85 = arith.minimumf %add3A, %min3A : vector<200x128xf32>
    %max3A_86 = vector.broadcast %get3A_61 : f32 to vector<200x128xf32>
    %max3A_87 = arith.maximumf %sub3A, %max3A_86 : vector<200x128xf32>
    %sub3A_88 = arith.subf %min3A_85, %max3A_87 : vector<200x128xf32>
    %min3A_89 = vector.broadcast %get3A_73 : f32 to vector<200x128xf32>
    %min3A_90 = arith.minimumf %add3A_31, %min3A_89 : vector<200x128xf32>
    %max3A_91 = vector.broadcast %get3A_65 : f32 to vector<200x128xf32>
    %max3A_92 = arith.maximumf %sub3A_24, %max3A_91 : vector<200x128xf32>
    %sub3A_93 = arith.subf %min3A_90, %max3A_92 : vector<200x128xf32>
    %max3A_94 = arith.constant 0.000000e+00 : f32
    %max3A_95 = vector.broadcast %max3A_94 : f32 to vector<200x128xf32>
    %max3A_96 = arith.maximumf %sub3A_88, %max3A_95 : vector<200x128xf32>
    %max3A_97 = arith.constant 0.000000e+00 : f32
    %max3A_98 = vector.broadcast %max3A_97 : f32 to vector<200x128xf32>
    %max3A_99 = arith.maximumf %sub3A_93, %max3A_98 : vector<200x128xf32>
    %mul3A_100 = arith.mulf %max3A_96, %max3A_99 : vector<200x128xf32>
    %add3A_101 = vector.broadcast %mul3A_84 : f32 to vector<200x128xf32>
    %add3A_102 = arith.addf %mul3A_39, %add3A_101 : vector<200x128xf32>
    %sub3A_103 = arith.subf %add3A_102, %mul3A_100 : vector<200x128xf32>
    %add3A_104 = arith.constant 9.99999971E-10 : f32
    %add3A_105 = vector.broadcast %add3A_104 : f32 to vector<200x128xf32>
    %add3A_106 = arith.addf %sub3A_103, %add3A_105 : vector<200x128xf32>
    %div3A = arith.divf %mul3A_100, %add3A_106 : vector<200x128xf32>
    %gt3A = arith.cmpf ogt, %div3A, %broadcast_in_dim3A_47 : vector<200x128xf32>
    %select_n3A = arith.select %gt3A, %div3A, %broadcast_in_dim3A_47 : vector<200x128xi1>, vector<200x128xf32>
    %broadcast_in_dim3A_107 = vector.broadcast %get3A_61 : f32 to vector<200x128xf32>
    %select_n3A_108 = arith.select %gt3A, %broadcast_in_dim3A_107, %broadcast_in_dim3A_49 : vector<200x128xi1>, vector<200x128xf32>
    %broadcast_in_dim3A_109 = vector.broadcast %get3A_65 : f32 to vector<200x128xf32>
    %select_n3A_110 = arith.select %gt3A, %broadcast_in_dim3A_109, %broadcast_in_dim3A_51 : vector<200x128xi1>, vector<200x128xf32>
    %broadcast_in_dim3A_111 = vector.broadcast %get3A_69 : f32 to vector<200x128xf32>
    %select_n3A_112 = arith.select %gt3A, %broadcast_in_dim3A_111, %broadcast_in_dim3A_53 : vector<200x128xi1>, vector<200x128xf32>
    %broadcast_in_dim3A_113 = vector.broadcast %get3A_73 : f32 to vector<200x128xf32>
    %select_n3A_114 = arith.select %gt3A, %broadcast_in_dim3A_113, %broadcast_in_dim3A_55 : vector<200x128xi1>, vector<200x128xf32>
    %broadcast_in_dim3A_115 = vector.broadcast %convert_element_type3A : f32 to vector<200x128xf32>
    %select_n3A_116 = arith.select %gt3A, %broadcast_in_dim3A_115, %broadcast_in_dim3A_57 : vector<200x128xi1>, vector<200x128xf32>
    %get3A_117 = arith.constant 0 : index
    %get3A_118 = arith.constant 1 : index
    %get3A_119 = arith.constant 0 : index
    %get3A_120 = memref.load %arg3[%get3A_117, %get3A_118, %get3A_119] : memref<1x32x4xf32, #tpu.memory_space<smem>>
    %get3A_121 = arith.constant 0 : index
    %get3A_122 = arith.constant 1 : index
    %get3A_123 = arith.constant 1 : index
    %get3A_124 = memref.load %arg3[%get3A_121, %get3A_122, %get3A_123] : memref<1x32x4xf32, #tpu.memory_space<smem>>
    %get3A_125 = arith.constant 0 : index
    %get3A_126 = arith.constant 1 : index
    %get3A_127 = arith.constant 2 : index
    %get3A_128 = memref.load %arg3[%get3A_125, %get3A_126, %get3A_127] : memref<1x32x4xf32, #tpu.memory_space<smem>>
    %get3A_129 = arith.constant 0 : index
    %get3A_130 = arith.constant 1 : index
    %get3A_131 = arith.constant 3 : index
    %get3A_132 = memref.load %arg3[%get3A_129, %get3A_130, %get3A_131] : memref<1x32x4xf32, #tpu.memory_space<smem>>
    %get3A_133 = arith.constant 0 : index
    %get3A_134 = arith.constant 0 : index
    %get3A_135 = arith.constant 1 : index
    %get3A_136 = memref.load %arg4[%get3A_133, %get3A_134, %get3A_135] : memref<1x1x32xi32, #tpu.memory_space<smem>>
    %convert_element_type3A_137 = arith.sitofp %get3A_136 : i32 to f32
    %sub3A_138 = arith.subf %get3A_128, %get3A_120 : f32
    %max3A_139 = arith.constant 0.000000e+00 : f32
    %max3A_140 = arith.maximumf %sub3A_138, %max3A_139 : f32
    %sub3A_141 = arith.subf %get3A_132, %get3A_124 : f32
    %max3A_142 = arith.constant 0.000000e+00 : f32
    %max3A_143 = arith.maximumf %sub3A_141, %max3A_142 : f32
    %mul3A_144 = arith.mulf %max3A_140, %max3A_143 : f32
    %min3A_145 = vector.broadcast %get3A_128 : f32 to vector<200x128xf32>
    %min3A_146 = arith.minimumf %add3A, %min3A_145 : vector<200x128xf32>
    %max3A_147 = vector.broadcast %get3A_120 : f32 to vector<200x128xf32>
    %max3A_148 = arith.maximumf %sub3A, %max3A_147 : vector<200x128xf32>
    %sub3A_149 = arith.subf %min3A_146, %max3A_148 : vector<200x128xf32>
    %min3A_150 = vector.broadcast %get3A_132 : f32 to vector<200x128xf32>
    %min3A_151 = arith.minimumf %add3A_31, %min3A_150 : vector<200x128xf32>
    %max3A_152 = vector.broadcast %get3A_124 : f32 to vector<200x128xf32>
    %max3A_153 = arith.maximumf %sub3A_24, %max3A_152 : vector<200x128xf32>
    %sub3A_154 = arith.subf %min3A_151, %max3A_153 : vector<200x128xf32>
    %max3A_155 = arith.constant 0.000000e+00 : f32
    %max3A_156 = vector.broadcast %max3A_155 : f32 to vector<200x128xf32>
    %max3A_157 = arith.maximumf %sub3A_149, %max3A_156 : vector<200x128xf32>
    %max3A_158 = arith.constant 0.000000e+00 : f32
    %max3A_159 = vector.broadcast %max3A_158 : f32 to vector<200x128xf32>
    %max3A_160 = arith.maximumf %sub3A_154, %max3A_159 : vector<200x128xf32>
    %mul3A_161 = arith.mulf %max3A_157, %max3A_160 : vector<200x128xf32>
    %add3A_162 = vector.broadcast %mul3A_144 : f32 to vector<200x128xf32>
    %add3A_163 = arith.addf %mul3A_39, %add3A_162 : vector<200x128xf32>
    %sub3A_164 = arith.subf %add3A_163, %mul3A_161 : vector<200x128xf32>
    %add3A_165 = arith.constant 9.99999971E-10 : f32
    %add3A_166 = vector.broadcast %add3A_165 : f32 to vector<200x128xf32>
    %add3A_167 = arith.addf %sub3A_164, %add3A_166 : vector<200x128xf32>
    %div3A_168 = arith.divf %mul3A_161, %add3A_167 : vector<200x128xf32>
    %gt3A_169 = arith.cmpf ogt, %div3A_168, %select_n3A : vector<200x128xf32>
    %select_n3A_170 = arith.select %gt3A_169, %div3A_168, %select_n3A : vector<200x128xi1>, vector<200x128xf32>
    %broadcast_in_dim3A_171 = vector.broadcast %get3A_120 : f32 to vector<200x128xf32>
    %select_n3A_172 = arith.select %gt3A_169, %broadcast_in_dim3A_171, %select_n3A_108 : vector<200x128xi1>, vector<200x128xf32>
    %broadcast_in_dim3A_173 = vector.broadcast %get3A_124 : f32 to vector<200x128xf32>
    %select_n3A_174 = arith.select %gt3A_169, %broadcast_in_dim3A_173, %select_n3A_110 : vector<200x128xi1>, vector<200x128xf32>
    %broadcast_in_dim3A_175 = vector.broadcast %get3A_128 : f32 to vector<200x128xf32>
    %select_n3A_176 = arith.select %gt3A_169, %broadcast_in_dim3A_175, %select_n3A_112 : vector<200x128xi1>, vector<200x128xf32>
    %broadcast_in_dim3A_177 = vector.broadcast %get3A_132 : f32 to vector<200x128xf32>
    %select_n3A_178 = arith.select %gt3A_169, %broadcast_in_dim3A_177, %select_n3A_114 : vector<200x128xi1>, vector<200x128xf32>
    %broadcast_in_dim3A_179 = vector.broadcast %convert_element_type3A_137 : f32 to vector<200x128xf32>
    %select_n3A_180 = arith.select %gt3A_169, %broadcast_in_dim3A_179, %select_n3A_116 : vector<200x128xi1>, vector<200x128xf32>
    %get3A_181 = arith.constant 0 : index
    %get3A_182 = arith.constant 2 : index
    %get3A_183 = arith.constant 0 : index
    %get3A_184 = memref.load %arg3[%get3A_181, %get3A_182, %get3A_183] : memref<1x32x4xf32, #tpu.memory_space<smem>>
    %get3A_185 = arith.constant 0 : index
    %get3A_186 = arith.constant 2 : index
    %get3A_187 = arith.constant 1 : index
    %get3A_188 = memref.load %arg3[%get3A_185, %get3A_186, %get3A_187] : memref<1x32x4xf32, #tpu.memory_space<smem>>
    %get3A_189 = arith.constant 0 : index
    %get3A_190 = arith.constant 2 : index
    %get3A_191 = arith.constant 2 : index
    %get3A_192 = memref.load %arg3[%get3A_189, %get3A_190, %get3A_191] : memref<1x32x4xf32, #tpu.memory_space<smem>>
    %get3A_193 = arith.constant 0 : index
    %get3A_194 = arith.constant 2 : index
    %get3A_195 = arith.constant 3 : index
    %get3A_196 = memref.load %arg3[%get3A_193, %get3A_194, %get3A_195] : memref<1x32x4xf32, #tpu.memory_space<smem>>
    %get3A_197 = arith.constant 0 : index
    %get3A_198 = arith.constant 0 : index
    %get3A_199 = arith.constant 2 : index
    %get3A_200 = memref.load %arg4[%get3A_197, %get3A_198, %get3A_199] : memref<1x1x32xi32, #tpu.memory_space<smem>>
    %convert_element_type3A_201 = arith.sitofp %get3A_200 : i32 to f32
    %sub3A_202 = arith.subf %get3A_192, %get3A_184 : f32
    %max3A_203 = arith.constant 0.000000e+00 : f32
    %max3A_204 = arith.maximumf %sub3A_202, %max3A_203 : f32
    %sub3A_205 = arith.subf %get3A_196, %get3A_188 : f32
    %max3A_206 = arith.constant 0.000000e+00 : f32
    %max3A_207 = arith.maximumf %sub3A_205, %max3A_206 : f32
    %mul3A_208 = arith.mulf %max3A_204, %max3A_207 : f32
    %min3A_209 = vector.broadcast %get3A_192 : f32 to vector<200x128xf32>
    %min3A_210 = arith.minimumf %add3A, %min3A_209 : vector<200x128xf32>
    %max3A_211 = vector.broadcast %get3A_184 : f32 to vector<200x128xf32>
    %max3A_212 = arith.maximumf %sub3A, %max3A_211 : vector<200x128xf32>
    %sub3A_213 = arith.subf %min3A_210, %max3A_212 : vector<200x128xf32>
    %min3A_214 = vector.broadcast %get3A_196 : f32 to vector<200x128xf32>
    %min3A_215 = arith.minimumf %add3A_31, %min3A_214 : vector<200x128xf32>
    %max3A_216 = vector.broadcast %get3A_188 : f32 to vector<200x128xf32>
    %max3A_217 = arith.maximumf %sub3A_24, %max3A_216 : vector<200x128xf32>
    %sub3A_218 = arith.subf %min3A_215, %max3A_217 : vector<200x128xf32>
    %max3A_219 = arith.constant 0.000000e+00 : f32
    %max3A_220 = vector.broadcast %max3A_219 : f32 to vector<200x128xf32>
    %max3A_221 = arith.maximumf %sub3A_213, %max3A_220 : vector<200x128xf32>
    %max3A_222 = arith.constant 0.000000e+00 : f32
    %max3A_223 = vector.broadcast %max3A_222 : f32 to vector<200x128xf32>
    %max3A_224 = arith.maximumf %sub3A_218, %max3A_223 : vector<200x128xf32>
    %mul3A_225 = arith.mulf %max3A_221, %max3A_224 : vector<200x128xf32>
    %add3A_226 = vector.broadcast %mul3A_208 : f32 to vector<200x128xf32>
    %add3A_227 = arith.addf %mul3A_39, %add3A_226 : vector<200x128xf32>
    %sub3A_228 = arith.subf %add3A_227, %mul3A_225 : vector<200x128xf32>
    %add3A_229 = arith.constant 9.99999971E-10 : f32
    %add3A_230 = vector.broadcast %add3A_229 : f32 to vector<200x128xf32>
    %add3A_231 = arith.addf %sub3A_228, %add3A_230 : vector<200x128xf32>
    %div3A_232 = arith.divf %mul3A_225, %add3A_231 : vector<200x128xf32>
    %gt3A_233 = arith.cmpf ogt, %div3A_232, %select_n3A_170 : vector<200x128xf32>
    %select_n3A_234 = arith.select %gt3A_233, %div3A_232, %select_n3A_170 : vector<200x128xi1>, vector<200x128xf32>
    %broadcast_in_dim3A_235 = vector.broadcast %get3A_184 : f32 to vector<200x128xf32>
    %select_n3A_236 = arith.select %gt3A_233, %broadcast_in_dim3A_235, %select_n3A_172 : vector<200x128xi1>, vector<200x128xf32>
    %broadcast_in_dim3A_237 = vector.broadcast %get3A_188 : f32 to vector<200x128xf32>
    %select_n3A_238 = arith.select %gt3A_233, %broadcast_in_dim3A_237, %select_n3A_174 : vector<200x128xi1>, vector<200x128xf32>
    %broadcast_in_dim3A_239 = vector.broadcast %get3A_192 : f32 to vector<200x128xf32>
    %select_n3A_240 = arith.select %gt3A_233, %broadcast_in_dim3A_239, %select_n3A_176 : vector<200x128xi1>, vector<200x128xf32>
    %broadcast_in_dim3A_241 = vector.broadcast %get3A_196 : f32 to vector<200x128xf32>
    %select_n3A_242 = arith.select %gt3A_233, %broadcast_in_dim3A_241, %select_n3A_178 : vector<200x128xi1>, vector<200x128xf32>
    %broadcast_in_dim3A_243 = vector.broadcast %convert_element_type3A_201 : f32 to vector<200x128xf32>
    %select_n3A_244 = arith.select %gt3A_233, %broadcast_in_dim3A_243, %select_n3A_180 : vector<200x128xi1>, vector<200x128xf32>
    %get3A_245 = arith.constant 0 : index
    %get3A_246 = arith.constant 3 : index
    %get3A_247 = arith.constant 0 : index
    %get3A_248 = memref.load %arg3[%get3A_245, %get3A_246, %get3A_247] : memref<1x32x4xf32, #tpu.memory_space<smem>>
    %get3A_249 = arith.constant 0 : index
    %get3A_250 = arith.constant 3 : index
    %get3A_251 = arith.constant 1 : index
    %get3A_252 = memref.load %arg3[%get3A_249, %get3A_250, %get3A_251] : memref<1x32x4xf32, #tpu.memory_space<smem>>
    %get3A_253 = arith.constant 0 : index
    %get3A_254 = arith.constant 3 : index
    %get3A_255 = arith.constant 2 : index
    %get3A_256 = memref.load %arg3[%get3A_253, %get3A_254, %get3A_255] : memref<1x32x4xf32, #tpu.memory_space<smem>>
    %get3A_257 = arith.constant 0 : index
    %get3A_258 = arith.constant 3 : index
    %get3A_259 = arith.constant 3 : index
    %get3A_260 = memref.load %arg3[%get3A_257, %get3A_258, %get3A_259] : memref<1x32x4xf32, #tpu.memory_space<smem>>
    %get3A_261 = arith.constant 0 : index
    %get3A_262 = arith.constant 0 : index
    %get3A_263 = arith.constant 3 : index
    %get3A_264 = memref.load %arg4[%get3A_261, %get3A_262, %get3A_263] : memref<1x1x32xi32, #tpu.memory_space<smem>>
    %convert_element_type3A_265 = arith.sitofp %get3A_264 : i32 to f32
    %sub3A_266 = arith.subf %get3A_256, %get3A_248 : f32
    %max3A_267 = arith.constant 0.000000e+00 : f32
    %max3A_268 = arith.maximumf %sub3A_266, %max3A_267 : f32
    %sub3A_269 = arith.subf %get3A_260, %get3A_252 : f32
    %max3A_270 = arith.constant 0.000000e+00 : f32
    %max3A_271 = arith.maximumf %sub3A_269, %max3A_270 : f32
    %mul3A_272 = arith.mulf %max3A_268, %max3A_271 : f32
    %min3A_273 = vector.broadcast %get3A_256 : f32 to vector<200x128xf32>
    %min3A_274 = arith.minimumf %add3A, %min3A_273 : vector<200x128xf32>
    %max3A_275 = vector.broadcast %get3A_248 : f32 to vector<200x128xf32>
    %max3A_276 = arith.maximumf %sub3A, %max3A_275 : vector<200x128xf32>
    %sub3A_277 = arith.subf %min3A_274, %max3A_276 : vector<200x128xf32>
    %min3A_278 = vector.broadcast %get3A_260 : f32 to vector<200x128xf32>
    %min3A_279 = arith.minimumf %add3A_31, %min3A_278 : vector<200x128xf32>
    %max3A_280 = vector.broadcast %get3A_252 : f32 to vector<200x128xf32>
    %max3A_281 = arith.maximumf %sub3A_24, %max3A_280 : vector<200x128xf32>
    %sub3A_282 = arith.subf %min3A_279, %max3A_281 : vector<200x128xf32>
    %max3A_283 = arith.constant 0.000000e+00 : f32
    %max3A_284 = vector.broadcast %max3A_283 : f32 to vector<200x128xf32>
    %max3A_285 = arith.maximumf %sub3A_277, %max3A_284 : vector<200x128xf32>
    %max3A_286 = arith.constant 0.000000e+00 : f32
    %max3A_287 = vector.broadcast %max3A_286 : f32 to vector<200x128xf32>
    %max3A_288 = arith.maximumf %sub3A_282, %max3A_287 : vector<200x128xf32>
    %mul3A_289 = arith.mulf %max3A_285, %max3A_288 : vector<200x128xf32>
    %add3A_290 = vector.broadcast %mul3A_272 : f32 to vector<200x128xf32>
    %add3A_291 = arith.addf %mul3A_39, %add3A_290 : vector<200x128xf32>
    %sub3A_292 = arith.subf %add3A_291, %mul3A_289 : vector<200x128xf32>
    %add3A_293 = arith.constant 9.99999971E-10 : f32
    %add3A_294 = vector.broadcast %add3A_293 : f32 to vector<200x128xf32>
    %add3A_295 = arith.addf %sub3A_292, %add3A_294 : vector<200x128xf32>
    %div3A_296 = arith.divf %mul3A_289, %add3A_295 : vector<200x128xf32>
    %gt3A_297 = arith.cmpf ogt, %div3A_296, %select_n3A_234 : vector<200x128xf32>
    %select_n3A_298 = arith.select %gt3A_297, %div3A_296, %select_n3A_234 : vector<200x128xi1>, vector<200x128xf32>
    %broadcast_in_dim3A_299 = vector.broadcast %get3A_248 : f32 to vector<200x128xf32>
    %select_n3A_300 = arith.select %gt3A_297, %broadcast_in_dim3A_299, %select_n3A_236 : vector<200x128xi1>, vector<200x128xf32>
    %broadcast_in_dim3A_301 = vector.broadcast %get3A_252 : f32 to vector<200x128xf32>
    %select_n3A_302 = arith.select %gt3A_297, %broadcast_in_dim3A_301, %select_n3A_238 : vector<200x128xi1>, vector<200x128xf32>
    %broadcast_in_dim3A_303 = vector.broadcast %get3A_256 : f32 to vector<200x128xf32>
    %select_n3A_304 = arith.select %gt3A_297, %broadcast_in_dim3A_303, %select_n3A_240 : vector<200x128xi1>, vector<200x128xf32>
    %broadcast_in_dim3A_305 = vector.broadcast %get3A_260 : f32 to vector<200x128xf32>
    %select_n3A_306 = arith.select %gt3A_297, %broadcast_in_dim3A_305, %select_n3A_242 : vector<200x128xi1>, vector<200x128xf32>
    %broadcast_in_dim3A_307 = vector.broadcast %convert_element_type3A_265 : f32 to vector<200x128xf32>
    %select_n3A_308 = arith.select %gt3A_297, %broadcast_in_dim3A_307, %select_n3A_244 : vector<200x128xi1>, vector<200x128xf32>
    %get3A_309 = arith.constant 0 : index
    %get3A_310 = arith.constant 4 : index
    %get3A_311 = arith.constant 0 : index
    %get3A_312 = memref.load %arg3[%get3A_309, %get3A_310, %get3A_311] : memref<1x32x4xf32, #tpu.memory_space<smem>>
    %get3A_313 = arith.constant 0 : index
    %get3A_314 = arith.constant 4 : index
    %get3A_315 = arith.constant 1 : index
    %get3A_316 = memref.load %arg3[%get3A_313, %get3A_314, %get3A_315] : memref<1x32x4xf32, #tpu.memory_space<smem>>
    %get3A_317 = arith.constant 0 : index
    %get3A_318 = arith.constant 4 : index
    %get3A_319 = arith.constant 2 : index
    %get3A_320 = memref.load %arg3[%get3A_317, %get3A_318, %get3A_319] : memref<1x32x4xf32, #tpu.memory_space<smem>>
    %get3A_321 = arith.constant 0 : index
    %get3A_322 = arith.constant 4 : index
    %get3A_323 = arith.constant 3 : index
    %get3A_324 = memref.load %arg3[%get3A_321, %get3A_322, %get3A_323] : memref<1x32x4xf32, #tpu.memory_space<smem>>
    %get3A_325 = arith.constant 0 : index
    %get3A_326 = arith.constant 0 : index
    %get3A_327 = arith.constant 4 : index
    %get3A_328 = memref.load %arg4[%get3A_325, %get3A_326, %get3A_327] : memref<1x1x32xi32, #tpu.memory_space<smem>>
    %convert_element_type3A_329 = arith.sitofp %get3A_328 : i32 to f32
    %sub3A_330 = arith.subf %get3A_320, %get3A_312 : f32
    %max3A_331 = arith.constant 0.000000e+00 : f32
    %max3A_332 = arith.maximumf %sub3A_330, %max3A_331 : f32
    %sub3A_333 = arith.subf %get3A_324, %get3A_316 : f32
    %max3A_334 = arith.constant 0.000000e+00 : f32
    %max3A_335 = arith.maximumf %sub3A_333, %max3A_334 : f32
    %mul3A_336 = arith.mulf %max3A_332, %max3A_335 : f32
    %min3A_337 = vector.broadcast %get3A_320 : f32 to vector<200x128xf32>
    %min3A_338 = arith.minimumf %add3A, %min3A_337 : vector<200x128xf32>
    %max3A_339 = vector.broadcast %get3A_312 : f32 to vector<200x128xf32>
    %max3A_340 = arith.maximumf %sub3A, %max3A_339 : vector<200x128xf32>
    %sub3A_341 = arith.subf %min3A_338, %max3A_340 : vector<200x128xf32>
    %min3A_342 = vector.broadcast %get3A_324 : f32 to vector<200x128xf32>
    %min3A_343 = arith.minimumf %add3A_31, %min3A_342 : vector<200x128xf32>
    %max3A_344 = vector.broadcast %get3A_316 : f32 to vector<200x128xf32>
    %max3A_345 = arith.maximumf %sub3A_24, %max3A_344 : vector<200x128xf32>
    %sub3A_346 = arith.subf %min3A_343, %max3A_345 : vector<200x128xf32>
    %max3A_347 = arith.constant 0.000000e+00 : f32
    %max3A_348 = vector.broadcast %max3A_347 : f32 to vector<200x128xf32>
    %max3A_349 = arith.maximumf %sub3A_341, %max3A_348 : vector<200x128xf32>
    %max3A_350 = arith.constant 0.000000e+00 : f32
    %max3A_351 = vector.broadcast %max3A_350 : f32 to vector<200x128xf32>
    %max3A_352 = arith.maximumf %sub3A_346, %max3A_351 : vector<200x128xf32>
    %mul3A_353 = arith.mulf %max3A_349, %max3A_352 : vector<200x128xf32>
    %add3A_354 = vector.broadcast %mul3A_336 : f32 to vector<200x128xf32>
    %add3A_355 = arith.addf %mul3A_39, %add3A_354 : vector<200x128xf32>
    %sub3A_356 = arith.subf %add3A_355, %mul3A_353 : vector<200x128xf32>
    %add3A_357 = arith.constant 9.99999971E-10 : f32
    %add3A_358 = vector.broadcast %add3A_357 : f32 to vector<200x128xf32>
    %add3A_359 = arith.addf %sub3A_356, %add3A_358 : vector<200x128xf32>
    %div3A_360 = arith.divf %mul3A_353, %add3A_359 : vector<200x128xf32>
    %gt3A_361 = arith.cmpf ogt, %div3A_360, %select_n3A_298 : vector<200x128xf32>
    %select_n3A_362 = arith.select %gt3A_361, %div3A_360, %select_n3A_298 : vector<200x128xi1>, vector<200x128xf32>
    %broadcast_in_dim3A_363 = vector.broadcast %get3A_312 : f32 to vector<200x128xf32>
    %select_n3A_364 = arith.select %gt3A_361, %broadcast_in_dim3A_363, %select_n3A_300 : vector<200x128xi1>, vector<200x128xf32>
    %broadcast_in_dim3A_365 = vector.broadcast %get3A_316 : f32 to vector<200x128xf32>
    %select_n3A_366 = arith.select %gt3A_361, %broadcast_in_dim3A_365, %select_n3A_302 : vector<200x128xi1>, vector<200x128xf32>
    %broadcast_in_dim3A_367 = vector.broadcast %get3A_320 : f32 to vector<200x128xf32>
    %select_n3A_368 = arith.select %gt3A_361, %broadcast_in_dim3A_367, %select_n3A_304 : vector<200x128xi1>, vector<200x128xf32>
    %broadcast_in_dim3A_369 = vector.broadcast %get3A_324 : f32 to vector<200x128xf32>
    %select_n3A_370 = arith.select %gt3A_361, %broadcast_in_dim3A_369, %select_n3A_306 : vector<200x128xi1>, vector<200x128xf32>
    %broadcast_in_dim3A_371 = vector.broadcast %convert_element_type3A_329 : f32 to vector<200x128xf32>
    %select_n3A_372 = arith.select %gt3A_361, %broadcast_in_dim3A_371, %select_n3A_308 : vector<200x128xi1>, vector<200x128xf32>
    %get3A_373 = arith.constant 0 : index
    %get3A_374 = arith.constant 5 : index
    %get3A_375 = arith.constant 0 : index
    %get3A_376 = memref.load %arg3[%get3A_373, %get3A_374, %get3A_375] : memref<1x32x4xf32, #tpu.memory_space<smem>>
    %get3A_377 = arith.constant 0 : index
    %get3A_378 = arith.constant 5 : index
    %get3A_379 = arith.constant 1 : index
    %get3A_380 = memref.load %arg3[%get3A_377, %get3A_378, %get3A_379] : memref<1x32x4xf32, #tpu.memory_space<smem>>
    %get3A_381 = arith.constant 0 : index
    %get3A_382 = arith.constant 5 : index
    %get3A_383 = arith.constant 2 : index
    %get3A_384 = memref.load %arg3[%get3A_381, %get3A_382, %get3A_383] : memref<1x32x4xf32, #tpu.memory_space<smem>>
    %get3A_385 = arith.constant 0 : index
    %get3A_386 = arith.constant 5 : index
    %get3A_387 = arith.constant 3 : index
    %get3A_388 = memref.load %arg3[%get3A_385, %get3A_386, %get3A_387] : memref<1x32x4xf32, #tpu.memory_space<smem>>
    %get3A_389 = arith.constant 0 : index
    %get3A_390 = arith.constant 0 : index
    %get3A_391 = arith.constant 5 : index
    %get3A_392 = memref.load %arg4[%get3A_389, %get3A_390, %get3A_391] : memref<1x1x32xi32, #tpu.memory_space<smem>>
    %convert_element_type3A_393 = arith.sitofp %get3A_392 : i32 to f32
    %sub3A_394 = arith.subf %get3A_384, %get3A_376 : f32
    %max3A_395 = arith.constant 0.000000e+00 : f32
    %max3A_396 = arith.maximumf %sub3A_394, %max3A_395 : f32
    %sub3A_397 = arith.subf %get3A_388, %get3A_380 : f32
    %max3A_398 = arith.constant 0.000000e+00 : f32
    %max3A_399 = arith.maximumf %sub3A_397, %max3A_398 : f32
    %mul3A_400 = arith.mulf %max3A_396, %max3A_399 : f32
    %min3A_401 = vector.broadcast %get3A_384 : f32 to vector<200x128xf32>
    %min3A_402 = arith.minimumf %add3A, %min3A_401 : vector<200x128xf32>
    %max3A_403 = vector.broadcast %get3A_376 : f32 to vector<200x128xf32>
    %max3A_404 = arith.maximumf %sub3A, %max3A_403 : vector<200x128xf32>
    %sub3A_405 = arith.subf %min3A_402, %max3A_404 : vector<200x128xf32>
    %min3A_406 = vector.broadcast %get3A_388 : f32 to vector<200x128xf32>
    %min3A_407 = arith.minimumf %add3A_31, %min3A_406 : vector<200x128xf32>
    %max3A_408 = vector.broadcast %get3A_380 : f32 to vector<200x128xf32>
    %max3A_409 = arith.maximumf %sub3A_24, %max3A_408 : vector<200x128xf32>
    %sub3A_410 = arith.subf %min3A_407, %max3A_409 : vector<200x128xf32>
    %max3A_411 = arith.constant 0.000000e+00 : f32
    %max3A_412 = vector.broadcast %max3A_411 : f32 to vector<200x128xf32>
    %max3A_413 = arith.maximumf %sub3A_405, %max3A_412 : vector<200x128xf32>
    %max3A_414 = arith.constant 0.000000e+00 : f32
    %max3A_415 = vector.broadcast %max3A_414 : f32 to vector<200x128xf32>
    %max3A_416 = arith.maximumf %sub3A_410, %max3A_415 : vector<200x128xf32>
    %mul3A_417 = arith.mulf %max3A_413, %max3A_416 : vector<200x128xf32>
    %add3A_418 = vector.broadcast %mul3A_400 : f32 to vector<200x128xf32>
    %add3A_419 = arith.addf %mul3A_39, %add3A_418 : vector<200x128xf32>
    %sub3A_420 = arith.subf %add3A_419, %mul3A_417 : vector<200x128xf32>
    %add3A_421 = arith.constant 9.99999971E-10 : f32
    %add3A_422 = vector.broadcast %add3A_421 : f32 to vector<200x128xf32>
    %add3A_423 = arith.addf %sub3A_420, %add3A_422 : vector<200x128xf32>
    %div3A_424 = arith.divf %mul3A_417, %add3A_423 : vector<200x128xf32>
    %gt3A_425 = arith.cmpf ogt, %div3A_424, %select_n3A_362 : vector<200x128xf32>
    %select_n3A_426 = arith.select %gt3A_425, %div3A_424, %select_n3A_362 : vector<200x128xi1>, vector<200x128xf32>
    %broadcast_in_dim3A_427 = vector.broadcast %get3A_376 : f32 to vector<200x128xf32>
    %select_n3A_428 = arith.select %gt3A_425, %broadcast_in_dim3A_427, %select_n3A_364 : vector<200x128xi1>, vector<200x128xf32>
    %broadcast_in_dim3A_429 = vector.broadcast %get3A_380 : f32 to vector<200x128xf32>
    %select_n3A_430 = arith.select %gt3A_425, %broadcast_in_dim3A_429, %select_n3A_366 : vector<200x128xi1>, vector<200x128xf32>
    %broadcast_in_dim3A_431 = vector.broadcast %get3A_384 : f32 to vector<200x128xf32>
    %select_n3A_432 = arith.select %gt3A_425, %broadcast_in_dim3A_431, %select_n3A_368 : vector<200x128xi1>, vector<200x128xf32>
    %broadcast_in_dim3A_433 = vector.broadcast %get3A_388 : f32 to vector<200x128xf32>
    %select_n3A_434 = arith.select %gt3A_425, %broadcast_in_dim3A_433, %select_n3A_370 : vector<200x128xi1>, vector<200x128xf32>
    %broadcast_in_dim3A_435 = vector.broadcast %convert_element_type3A_393 : f32 to vector<200x128xf32>
    %select_n3A_436 = arith.select %gt3A_425, %broadcast_in_dim3A_435, %select_n3A_372 : vector<200x128xi1>, vector<200x128xf32>
    %get3A_437 = arith.constant 0 : index
    %get3A_438 = arith.constant 6 : index
    %get3A_439 = arith.constant 0 : index
    %get3A_440 = memref.load %arg3[%get3A_437, %get3A_438, %get3A_439] : memref<1x32x4xf32, #tpu.memory_space<smem>>
    %get3A_441 = arith.constant 0 : index
    %get3A_442 = arith.constant 6 : index
    %get3A_443 = arith.constant 1 : index
    %get3A_444 = memref.load %arg3[%get3A_441, %get3A_442, %get3A_443] : memref<1x32x4xf32, #tpu.memory_space<smem>>
    %get3A_445 = arith.constant 0 : index
    %get3A_446 = arith.constant 6 : index
    %get3A_447 = arith.constant 2 : index
    %get3A_448 = memref.load %arg3[%get3A_445, %get3A_446, %get3A_447] : memref<1x32x4xf32, #tpu.memory_space<smem>>
    %get3A_449 = arith.constant 0 : index
    %get3A_450 = arith.constant 6 : index
    %get3A_451 = arith.constant 3 : index
    %get3A_452 = memref.load %arg3[%get3A_449, %get3A_450, %get3A_451] : memref<1x32x4xf32, #tpu.memory_space<smem>>
    %get3A_453 = arith.constant 0 : index
    %get3A_454 = arith.constant 0 : index
    %get3A_455 = arith.constant 6 : index
    %get3A_456 = memref.load %arg4[%get3A_453, %get3A_454, %get3A_455] : memref<1x1x32xi32, #tpu.memory_space<smem>>
    %convert_element_type3A_457 = arith.sitofp %get3A_456 : i32 to f32
    %sub3A_458 = arith.subf %get3A_448, %get3A_440 : f32
    %max3A_459 = arith.constant 0.000000e+00 : f32
    %max3A_460 = arith.maximumf %sub3A_458, %max3A_459 : f32
    %sub3A_461 = arith.subf %get3A_452, %get3A_444 : f32
    %max3A_462 = arith.constant 0.000000e+00 : f32
    %max3A_463 = arith.maximumf %sub3A_461, %max3A_462 : f32
    %mul3A_464 = arith.mulf %max3A_460, %max3A_463 : f32
    %min3A_465 = vector.broadcast %get3A_448 : f32 to vector<200x128xf32>
    %min3A_466 = arith.minimumf %add3A, %min3A_465 : vector<200x128xf32>
    %max3A_467 = vector.broadcast %get3A_440 : f32 to vector<200x128xf32>
    %max3A_468 = arith.maximumf %sub3A, %max3A_467 : vector<200x128xf32>
    %sub3A_469 = arith.subf %min3A_466, %max3A_468 : vector<200x128xf32>
    %min3A_470 = vector.broadcast %get3A_452 : f32 to vector<200x128xf32>
    %min3A_471 = arith.minimumf %add3A_31, %min3A_470 : vector<200x128xf32>
    %max3A_472 = vector.broadcast %get3A_444 : f32 to vector<200x128xf32>
    %max3A_473 = arith.maximumf %sub3A_24, %max3A_472 : vector<200x128xf32>
    %sub3A_474 = arith.subf %min3A_471, %max3A_473 : vector<200x128xf32>
    %max3A_475 = arith.constant 0.000000e+00 : f32
    %max3A_476 = vector.broadcast %max3A_475 : f32 to vector<200x128xf32>
    %max3A_477 = arith.maximumf %sub3A_469, %max3A_476 : vector<200x128xf32>
    %max3A_478 = arith.constant 0.000000e+00 : f32
    %max3A_479 = vector.broadcast %max3A_478 : f32 to vector<200x128xf32>
    %max3A_480 = arith.maximumf %sub3A_474, %max3A_479 : vector<200x128xf32>
    %mul3A_481 = arith.mulf %max3A_477, %max3A_480 : vector<200x128xf32>
    %add3A_482 = vector.broadcast %mul3A_464 : f32 to vector<200x128xf32>
    %add3A_483 = arith.addf %mul3A_39, %add3A_482 : vector<200x128xf32>
    %sub3A_484 = arith.subf %add3A_483, %mul3A_481 : vector<200x128xf32>
    %add3A_485 = arith.constant 9.99999971E-10 : f32
    %add3A_486 = vector.broadcast %add3A_485 : f32 to vector<200x128xf32>
    %add3A_487 = arith.addf %sub3A_484, %add3A_486 : vector<200x128xf32>
    %div3A_488 = arith.divf %mul3A_481, %add3A_487 : vector<200x128xf32>
    %gt3A_489 = arith.cmpf ogt, %div3A_488, %select_n3A_426 : vector<200x128xf32>
    %select_n3A_490 = arith.select %gt3A_489, %div3A_488, %select_n3A_426 : vector<200x128xi1>, vector<200x128xf32>
    %broadcast_in_dim3A_491 = vector.broadcast %get3A_440 : f32 to vector<200x128xf32>
    %select_n3A_492 = arith.select %gt3A_489, %broadcast_in_dim3A_491, %select_n3A_428 : vector<200x128xi1>, vector<200x128xf32>
    %broadcast_in_dim3A_493 = vector.broadcast %get3A_444 : f32 to vector<200x128xf32>
    %select_n3A_494 = arith.select %gt3A_489, %broadcast_in_dim3A_493, %select_n3A_430 : vector<200x128xi1>, vector<200x128xf32>
    %broadcast_in_dim3A_495 = vector.broadcast %get3A_448 : f32 to vector<200x128xf32>
    %select_n3A_496 = arith.select %gt3A_489, %broadcast_in_dim3A_495, %select_n3A_432 : vector<200x128xi1>, vector<200x128xf32>
    %broadcast_in_dim3A_497 = vector.broadcast %get3A_452 : f32 to vector<200x128xf32>
    %select_n3A_498 = arith.select %gt3A_489, %broadcast_in_dim3A_497, %select_n3A_434 : vector<200x128xi1>, vector<200x128xf32>
    %broadcast_in_dim3A_499 = vector.broadcast %convert_element_type3A_457 : f32 to vector<200x128xf32>
    %select_n3A_500 = arith.select %gt3A_489, %broadcast_in_dim3A_499, %select_n3A_436 : vector<200x128xi1>, vector<200x128xf32>
    %get3A_501 = arith.constant 0 : index
    %get3A_502 = arith.constant 7 : index
    %get3A_503 = arith.constant 0 : index
    %get3A_504 = memref.load %arg3[%get3A_501, %get3A_502, %get3A_503] : memref<1x32x4xf32, #tpu.memory_space<smem>>
    %get3A_505 = arith.constant 0 : index
    %get3A_506 = arith.constant 7 : index
    %get3A_507 = arith.constant 1 : index
    %get3A_508 = memref.load %arg3[%get3A_505, %get3A_506, %get3A_507] : memref<1x32x4xf32, #tpu.memory_space<smem>>
    %get3A_509 = arith.constant 0 : index
    %get3A_510 = arith.constant 7 : index
    %get3A_511 = arith.constant 2 : index
    %get3A_512 = memref.load %arg3[%get3A_509, %get3A_510, %get3A_511] : memref<1x32x4xf32, #tpu.memory_space<smem>>
    %get3A_513 = arith.constant 0 : index
    %get3A_514 = arith.constant 7 : index
    %get3A_515 = arith.constant 3 : index
    %get3A_516 = memref.load %arg3[%get3A_513, %get3A_514, %get3A_515] : memref<1x32x4xf32, #tpu.memory_space<smem>>
    %get3A_517 = arith.constant 0 : index
    %get3A_518 = arith.constant 0 : index
    %get3A_519 = arith.constant 7 : index
    %get3A_520 = memref.load %arg4[%get3A_517, %get3A_518, %get3A_519] : memref<1x1x32xi32, #tpu.memory_space<smem>>
    %convert_element_type3A_521 = arith.sitofp %get3A_520 : i32 to f32
    %sub3A_522 = arith.subf %get3A_512, %get3A_504 : f32
    %max3A_523 = arith.constant 0.000000e+00 : f32
    %max3A_524 = arith.maximumf %sub3A_522, %max3A_523 : f32
    %sub3A_525 = arith.subf %get3A_516, %get3A_508 : f32
    %max3A_526 = arith.constant 0.000000e+00 : f32
    %max3A_527 = arith.maximumf %sub3A_525, %max3A_526 : f32
    %mul3A_528 = arith.mulf %max3A_524, %max3A_527 : f32
    %min3A_529 = vector.broadcast %get3A_512 : f32 to vector<200x128xf32>
    %min3A_530 = arith.minimumf %add3A, %min3A_529 : vector<200x128xf32>
    %max3A_531 = vector.broadcast %get3A_504 : f32 to vector<200x128xf32>
    %max3A_532 = arith.maximumf %sub3A, %max3A_531 : vector<200x128xf32>
    %sub3A_533 = arith.subf %min3A_530, %max3A_532 : vector<200x128xf32>
    %min3A_534 = vector.broadcast %get3A_516 : f32 to vector<200x128xf32>
    %min3A_535 = arith.minimumf %add3A_31, %min3A_534 : vector<200x128xf32>
    %max3A_536 = vector.broadcast %get3A_508 : f32 to vector<200x128xf32>
    %max3A_537 = arith.maximumf %sub3A_24, %max3A_536 : vector<200x128xf32>
    %sub3A_538 = arith.subf %min3A_535, %max3A_537 : vector<200x128xf32>
    %max3A_539 = arith.constant 0.000000e+00 : f32
    %max3A_540 = vector.broadcast %max3A_539 : f32 to vector<200x128xf32>
    %max3A_541 = arith.maximumf %sub3A_533, %max3A_540 : vector<200x128xf32>
    %max3A_542 = arith.constant 0.000000e+00 : f32
    %max3A_543 = vector.broadcast %max3A_542 : f32 to vector<200x128xf32>
    %max3A_544 = arith.maximumf %sub3A_538, %max3A_543 : vector<200x128xf32>
    %mul3A_545 = arith.mulf %max3A_541, %max3A_544 : vector<200x128xf32>
    %add3A_546 = vector.broadcast %mul3A_528 : f32 to vector<200x128xf32>
    %add3A_547 = arith.addf %mul3A_39, %add3A_546 : vector<200x128xf32>
    %sub3A_548 = arith.subf %add3A_547, %mul3A_545 : vector<200x128xf32>
    %add3A_549 = arith.constant 9.99999971E-10 : f32
    %add3A_550 = vector.broadcast %add3A_549 : f32 to vector<200x128xf32>
    %add3A_551 = arith.addf %sub3A_548, %add3A_550 : vector<200x128xf32>
    %div3A_552 = arith.divf %mul3A_545, %add3A_551 : vector<200x128xf32>
    %gt3A_553 = arith.cmpf ogt, %div3A_552, %select_n3A_490 : vector<200x128xf32>
    %select_n3A_554 = arith.select %gt3A_553, %div3A_552, %select_n3A_490 : vector<200x128xi1>, vector<200x128xf32>
    %broadcast_in_dim3A_555 = vector.broadcast %get3A_504 : f32 to vector<200x128xf32>
    %select_n3A_556 = arith.select %gt3A_553, %broadcast_in_dim3A_555, %select_n3A_492 : vector<200x128xi1>, vector<200x128xf32>
    %broadcast_in_dim3A_557 = vector.broadcast %get3A_508 : f32 to vector<200x128xf32>
    %select_n3A_558 = arith.select %gt3A_553, %broadcast_in_dim3A_557, %select_n3A_494 : vector<200x128xi1>, vector<200x128xf32>
    %broadcast_in_dim3A_559 = vector.broadcast %get3A_512 : f32 to vector<200x128xf32>
    %select_n3A_560 = arith.select %gt3A_553, %broadcast_in_dim3A_559, %select_n3A_496 : vector<200x128xi1>, vector<200x128xf32>
    %broadcast_in_dim3A_561 = vector.broadcast %get3A_516 : f32 to vector<200x128xf32>
    %select_n3A_562 = arith.select %gt3A_553, %broadcast_in_dim3A_561, %select_n3A_498 : vector<200x128xi1>, vector<200x128xf32>
    %broadcast_in_dim3A_563 = vector.broadcast %convert_element_type3A_521 : f32 to vector<200x128xf32>
    %select_n3A_564 = arith.select %gt3A_553, %broadcast_in_dim3A_563, %select_n3A_500 : vector<200x128xi1>, vector<200x128xf32>
    %get3A_565 = arith.constant 0 : index
    %get3A_566 = arith.constant 8 : index
    %get3A_567 = arith.constant 0 : index
    %get3A_568 = memref.load %arg3[%get3A_565, %get3A_566, %get3A_567] : memref<1x32x4xf32, #tpu.memory_space<smem>>
    %get3A_569 = arith.constant 0 : index
    %get3A_570 = arith.constant 8 : index
    %get3A_571 = arith.constant 1 : index
    %get3A_572 = memref.load %arg3[%get3A_569, %get3A_570, %get3A_571] : memref<1x32x4xf32, #tpu.memory_space<smem>>
    %get3A_573 = arith.constant 0 : index
    %get3A_574 = arith.constant 8 : index
    %get3A_575 = arith.constant 2 : index
    %get3A_576 = memref.load %arg3[%get3A_573, %get3A_574, %get3A_575] : memref<1x32x4xf32, #tpu.memory_space<smem>>
    %get3A_577 = arith.constant 0 : index
    %get3A_578 = arith.constant 8 : index
    %get3A_579 = arith.constant 3 : index
    %get3A_580 = memref.load %arg3[%get3A_577, %get3A_578, %get3A_579] : memref<1x32x4xf32, #tpu.memory_space<smem>>
    %get3A_581 = arith.constant 0 : index
    %get3A_582 = arith.constant 0 : index
    %get3A_583 = arith.constant 8 : index
    %get3A_584 = memref.load %arg4[%get3A_581, %get3A_582, %get3A_583] : memref<1x1x32xi32, #tpu.memory_space<smem>>
    %convert_element_type3A_585 = arith.sitofp %get3A_584 : i32 to f32
    %sub3A_586 = arith.subf %get3A_576, %get3A_568 : f32
    %max3A_587 = arith.constant 0.000000e+00 : f32
    %max3A_588 = arith.maximumf %sub3A_586, %max3A_587 : f32
    %sub3A_589 = arith.subf %get3A_580, %get3A_572 : f32
    %max3A_590 = arith.constant 0.000000e+00 : f32
    %max3A_591 = arith.maximumf %sub3A_589, %max3A_590 : f32
    %mul3A_592 = arith.mulf %max3A_588, %max3A_591 : f32
    %min3A_593 = vector.broadcast %get3A_576 : f32 to vector<200x128xf32>
    %min3A_594 = arith.minimumf %add3A, %min3A_593 : vector<200x128xf32>
    %max3A_595 = vector.broadcast %get3A_568 : f32 to vector<200x128xf32>
    %max3A_596 = arith.maximumf %sub3A, %max3A_595 : vector<200x128xf32>
    %sub3A_597 = arith.subf %min3A_594, %max3A_596 : vector<200x128xf32>
    %min3A_598 = vector.broadcast %get3A_580 : f32 to vector<200x128xf32>
    %min3A_599 = arith.minimumf %add3A_31, %min3A_598 : vector<200x128xf32>
    %max3A_600 = vector.broadcast %get3A_572 : f32 to vector<200x128xf32>
    %max3A_601 = arith.maximumf %sub3A_24, %max3A_600 : vector<200x128xf32>
    %sub3A_602 = arith.subf %min3A_599, %max3A_601 : vector<200x128xf32>
    %max3A_603 = arith.constant 0.000000e+00 : f32
    %max3A_604 = vector.broadcast %max3A_603 : f32 to vector<200x128xf32>
    %max3A_605 = arith.maximumf %sub3A_597, %max3A_604 : vector<200x128xf32>
    %max3A_606 = arith.constant 0.000000e+00 : f32
    %max3A_607 = vector.broadcast %max3A_606 : f32 to vector<200x128xf32>
    %max3A_608 = arith.maximumf %sub3A_602, %max3A_607 : vector<200x128xf32>
    %mul3A_609 = arith.mulf %max3A_605, %max3A_608 : vector<200x128xf32>
    %add3A_610 = vector.broadcast %mul3A_592 : f32 to vector<200x128xf32>
    %add3A_611 = arith.addf %mul3A_39, %add3A_610 : vector<200x128xf32>
    %sub3A_612 = arith.subf %add3A_611, %mul3A_609 : vector<200x128xf32>
    %add3A_613 = arith.constant 9.99999971E-10 : f32
    %add3A_614 = vector.broadcast %add3A_613 : f32 to vector<200x128xf32>
    %add3A_615 = arith.addf %sub3A_612, %add3A_614 : vector<200x128xf32>
    %div3A_616 = arith.divf %mul3A_609, %add3A_615 : vector<200x128xf32>
    %gt3A_617 = arith.cmpf ogt, %div3A_616, %select_n3A_554 : vector<200x128xf32>
    %select_n3A_618 = arith.select %gt3A_617, %div3A_616, %select_n3A_554 : vector<200x128xi1>, vector<200x128xf32>
    %broadcast_in_dim3A_619 = vector.broadcast %get3A_568 : f32 to vector<200x128xf32>
    %select_n3A_620 = arith.select %gt3A_617, %broadcast_in_dim3A_619, %select_n3A_556 : vector<200x128xi1>, vector<200x128xf32>
    %broadcast_in_dim3A_621 = vector.broadcast %get3A_572 : f32 to vector<200x128xf32>
    %select_n3A_622 = arith.select %gt3A_617, %broadcast_in_dim3A_621, %select_n3A_558 : vector<200x128xi1>, vector<200x128xf32>
    %broadcast_in_dim3A_623 = vector.broadcast %get3A_576 : f32 to vector<200x128xf32>
    %select_n3A_624 = arith.select %gt3A_617, %broadcast_in_dim3A_623, %select_n3A_560 : vector<200x128xi1>, vector<200x128xf32>
    %broadcast_in_dim3A_625 = vector.broadcast %get3A_580 : f32 to vector<200x128xf32>
    %select_n3A_626 = arith.select %gt3A_617, %broadcast_in_dim3A_625, %select_n3A_562 : vector<200x128xi1>, vector<200x128xf32>
    %broadcast_in_dim3A_627 = vector.broadcast %convert_element_type3A_585 : f32 to vector<200x128xf32>
    %select_n3A_628 = arith.select %gt3A_617, %broadcast_in_dim3A_627, %select_n3A_564 : vector<200x128xi1>, vector<200x128xf32>
    %get3A_629 = arith.constant 0 : index
    %get3A_630 = arith.constant 9 : index
    %get3A_631 = arith.constant 0 : index
    %get3A_632 = memref.load %arg3[%get3A_629, %get3A_630, %get3A_631] : memref<1x32x4xf32, #tpu.memory_space<smem>>
    %get3A_633 = arith.constant 0 : index
    %get3A_634 = arith.constant 9 : index
    %get3A_635 = arith.constant 1 : index
    %get3A_636 = memref.load %arg3[%get3A_633, %get3A_634, %get3A_635] : memref<1x32x4xf32, #tpu.memory_space<smem>>
    %get3A_637 = arith.constant 0 : index
    %get3A_638 = arith.constant 9 : index
    %get3A_639 = arith.constant 2 : index
    %get3A_640 = memref.load %arg3[%get3A_637, %get3A_638, %get3A_639] : memref<1x32x4xf32, #tpu.memory_space<smem>>
    %get3A_641 = arith.constant 0 : index
    %get3A_642 = arith.constant 9 : index
    %get3A_643 = arith.constant 3 : index
    %get3A_644 = memref.load %arg3[%get3A_641, %get3A_642, %get3A_643] : memref<1x32x4xf32, #tpu.memory_space<smem>>
    %get3A_645 = arith.constant 0 : index
    %get3A_646 = arith.constant 0 : index
    %get3A_647 = arith.constant 9 : index
    %get3A_648 = memref.load %arg4[%get3A_645, %get3A_646, %get3A_647] : memref<1x1x32xi32, #tpu.memory_space<smem>>
    %convert_element_type3A_649 = arith.sitofp %get3A_648 : i32 to f32
    %sub3A_650 = arith.subf %get3A_640, %get3A_632 : f32
    %max3A_651 = arith.constant 0.000000e+00 : f32
    %max3A_652 = arith.maximumf %sub3A_650, %max3A_651 : f32
    %sub3A_653 = arith.subf %get3A_644, %get3A_636 : f32
    %max3A_654 = arith.constant 0.000000e+00 : f32
    %max3A_655 = arith.maximumf %sub3A_653, %max3A_654 : f32
    %mul3A_656 = arith.mulf %max3A_652, %max3A_655 : f32
    %min3A_657 = vector.broadcast %get3A_640 : f32 to vector<200x128xf32>
    %min3A_658 = arith.minimumf %add3A, %min3A_657 : vector<200x128xf32>
    %max3A_659 = vector.broadcast %get3A_632 : f32 to vector<200x128xf32>
    %max3A_660 = arith.maximumf %sub3A, %max3A_659 : vector<200x128xf32>
    %sub3A_661 = arith.subf %min3A_658, %max3A_660 : vector<200x128xf32>
    %min3A_662 = vector.broadcast %get3A_644 : f32 to vector<200x128xf32>
    %min3A_663 = arith.minimumf %add3A_31, %min3A_662 : vector<200x128xf32>
    %max3A_664 = vector.broadcast %get3A_636 : f32 to vector<200x128xf32>
    %max3A_665 = arith.maximumf %sub3A_24, %max3A_664 : vector<200x128xf32>
    %sub3A_666 = arith.subf %min3A_663, %max3A_665 : vector<200x128xf32>
    %max3A_667 = arith.constant 0.000000e+00 : f32
    %max3A_668 = vector.broadcast %max3A_667 : f32 to vector<200x128xf32>
    %max3A_669 = arith.maximumf %sub3A_661, %max3A_668 : vector<200x128xf32>
    %max3A_670 = arith.constant 0.000000e+00 : f32
    %max3A_671 = vector.broadcast %max3A_670 : f32 to vector<200x128xf32>
    %max3A_672 = arith.maximumf %sub3A_666, %max3A_671 : vector<200x128xf32>
    %mul3A_673 = arith.mulf %max3A_669, %max3A_672 : vector<200x128xf32>
    %add3A_674 = vector.broadcast %mul3A_656 : f32 to vector<200x128xf32>
    %add3A_675 = arith.addf %mul3A_39, %add3A_674 : vector<200x128xf32>
    %sub3A_676 = arith.subf %add3A_675, %mul3A_673 : vector<200x128xf32>
    %add3A_677 = arith.constant 9.99999971E-10 : f32
    %add3A_678 = vector.broadcast %add3A_677 : f32 to vector<200x128xf32>
    %add3A_679 = arith.addf %sub3A_676, %add3A_678 : vector<200x128xf32>
    %div3A_680 = arith.divf %mul3A_673, %add3A_679 : vector<200x128xf32>
    %gt3A_681 = arith.cmpf ogt, %div3A_680, %select_n3A_618 : vector<200x128xf32>
    %select_n3A_682 = arith.select %gt3A_681, %div3A_680, %select_n3A_618 : vector<200x128xi1>, vector<200x128xf32>
    %broadcast_in_dim3A_683 = vector.broadcast %get3A_632 : f32 to vector<200x128xf32>
    %select_n3A_684 = arith.select %gt3A_681, %broadcast_in_dim3A_683, %select_n3A_620 : vector<200x128xi1>, vector<200x128xf32>
    %broadcast_in_dim3A_685 = vector.broadcast %get3A_636 : f32 to vector<200x128xf32>
    %select_n3A_686 = arith.select %gt3A_681, %broadcast_in_dim3A_685, %select_n3A_622 : vector<200x128xi1>, vector<200x128xf32>
    %broadcast_in_dim3A_687 = vector.broadcast %get3A_640 : f32 to vector<200x128xf32>
    %select_n3A_688 = arith.select %gt3A_681, %broadcast_in_dim3A_687, %select_n3A_624 : vector<200x128xi1>, vector<200x128xf32>
    %broadcast_in_dim3A_689 = vector.broadcast %get3A_644 : f32 to vector<200x128xf32>
    %select_n3A_690 = arith.select %gt3A_681, %broadcast_in_dim3A_689, %select_n3A_626 : vector<200x128xi1>, vector<200x128xf32>
    %broadcast_in_dim3A_691 = vector.broadcast %convert_element_type3A_649 : f32 to vector<200x128xf32>
    %select_n3A_692 = arith.select %gt3A_681, %broadcast_in_dim3A_691, %select_n3A_628 : vector<200x128xi1>, vector<200x128xf32>
    %get3A_693 = arith.constant 0 : index
    %get3A_694 = arith.constant 10 : index
    %get3A_695 = arith.constant 0 : index
    %get3A_696 = memref.load %arg3[%get3A_693, %get3A_694, %get3A_695] : memref<1x32x4xf32, #tpu.memory_space<smem>>
    %get3A_697 = arith.constant 0 : index
    %get3A_698 = arith.constant 10 : index
    %get3A_699 = arith.constant 1 : index
    %get3A_700 = memref.load %arg3[%get3A_697, %get3A_698, %get3A_699] : memref<1x32x4xf32, #tpu.memory_space<smem>>
    %get3A_701 = arith.constant 0 : index
    %get3A_702 = arith.constant 10 : index
    %get3A_703 = arith.constant 2 : index
    %get3A_704 = memref.load %arg3[%get3A_701, %get3A_702, %get3A_703] : memref<1x32x4xf32, #tpu.memory_space<smem>>
    %get3A_705 = arith.constant 0 : index
    %get3A_706 = arith.constant 10 : index
    %get3A_707 = arith.constant 3 : index
    %get3A_708 = memref.load %arg3[%get3A_705, %get3A_706, %get3A_707] : memref<1x32x4xf32, #tpu.memory_space<smem>>
    %get3A_709 = arith.constant 0 : index
    %get3A_710 = arith.constant 0 : index
    %get3A_711 = arith.constant 10 : index
    %get3A_712 = memref.load %arg4[%get3A_709, %get3A_710, %get3A_711] : memref<1x1x32xi32, #tpu.memory_space<smem>>
    %convert_element_type3A_713 = arith.sitofp %get3A_712 : i32 to f32
    %sub3A_714 = arith.subf %get3A_704, %get3A_696 : f32
    %max3A_715 = arith.constant 0.000000e+00 : f32
    %max3A_716 = arith.maximumf %sub3A_714, %max3A_715 : f32
    %sub3A_717 = arith.subf %get3A_708, %get3A_700 : f32
    %max3A_718 = arith.constant 0.000000e+00 : f32
    %max3A_719 = arith.maximumf %sub3A_717, %max3A_718 : f32
    %mul3A_720 = arith.mulf %max3A_716, %max3A_719 : f32
    %min3A_721 = vector.broadcast %get3A_704 : f32 to vector<200x128xf32>
    %min3A_722 = arith.minimumf %add3A, %min3A_721 : vector<200x128xf32>
    %max3A_723 = vector.broadcast %get3A_696 : f32 to vector<200x128xf32>
    %max3A_724 = arith.maximumf %sub3A, %max3A_723 : vector<200x128xf32>
    %sub3A_725 = arith.subf %min3A_722, %max3A_724 : vector<200x128xf32>
    %min3A_726 = vector.broadcast %get3A_708 : f32 to vector<200x128xf32>
    %min3A_727 = arith.minimumf %add3A_31, %min3A_726 : vector<200x128xf32>
    %max3A_728 = vector.broadcast %get3A_700 : f32 to vector<200x128xf32>
    %max3A_729 = arith.maximumf %sub3A_24, %max3A_728 : vector<200x128xf32>
    %sub3A_730 = arith.subf %min3A_727, %max3A_729 : vector<200x128xf32>
    %max3A_731 = arith.constant 0.000000e+00 : f32
    %max3A_732 = vector.broadcast %max3A_731 : f32 to vector<200x128xf32>
    %max3A_733 = arith.maximumf %sub3A_725, %max3A_732 : vector<200x128xf32>
    %max3A_734 = arith.constant 0.000000e+00 : f32
    %max3A_735 = vector.broadcast %max3A_734 : f32 to vector<200x128xf32>
    %max3A_736 = arith.maximumf %sub3A_730, %max3A_735 : vector<200x128xf32>
    %mul3A_737 = arith.mulf %max3A_733, %max3A_736 : vector<200x128xf32>
    %add3A_738 = vector.broadcast %mul3A_720 : f32 to vector<200x128xf32>
    %add3A_739 = arith.addf %mul3A_39, %add3A_738 : vector<200x128xf32>
    %sub3A_740 = arith.subf %add3A_739, %mul3A_737 : vector<200x128xf32>
    %add3A_741 = arith.constant 9.99999971E-10 : f32
    %add3A_742 = vector.broadcast %add3A_741 : f32 to vector<200x128xf32>
    %add3A_743 = arith.addf %sub3A_740, %add3A_742 : vector<200x128xf32>
    %div3A_744 = arith.divf %mul3A_737, %add3A_743 : vector<200x128xf32>
    %gt3A_745 = arith.cmpf ogt, %div3A_744, %select_n3A_682 : vector<200x128xf32>
    %select_n3A_746 = arith.select %gt3A_745, %div3A_744, %select_n3A_682 : vector<200x128xi1>, vector<200x128xf32>
    %broadcast_in_dim3A_747 = vector.broadcast %get3A_696 : f32 to vector<200x128xf32>
    %select_n3A_748 = arith.select %gt3A_745, %broadcast_in_dim3A_747, %select_n3A_684 : vector<200x128xi1>, vector<200x128xf32>
    %broadcast_in_dim3A_749 = vector.broadcast %get3A_700 : f32 to vector<200x128xf32>
    %select_n3A_750 = arith.select %gt3A_745, %broadcast_in_dim3A_749, %select_n3A_686 : vector<200x128xi1>, vector<200x128xf32>
    %broadcast_in_dim3A_751 = vector.broadcast %get3A_704 : f32 to vector<200x128xf32>
    %select_n3A_752 = arith.select %gt3A_745, %broadcast_in_dim3A_751, %select_n3A_688 : vector<200x128xi1>, vector<200x128xf32>
    %broadcast_in_dim3A_753 = vector.broadcast %get3A_708 : f32 to vector<200x128xf32>
    %select_n3A_754 = arith.select %gt3A_745, %broadcast_in_dim3A_753, %select_n3A_690 : vector<200x128xi1>, vector<200x128xf32>
    %broadcast_in_dim3A_755 = vector.broadcast %convert_element_type3A_713 : f32 to vector<200x128xf32>
    %select_n3A_756 = arith.select %gt3A_745, %broadcast_in_dim3A_755, %select_n3A_692 : vector<200x128xi1>, vector<200x128xf32>
    %get3A_757 = arith.constant 0 : index
    %get3A_758 = arith.constant 11 : index
    %get3A_759 = arith.constant 0 : index
    %get3A_760 = memref.load %arg3[%get3A_757, %get3A_758, %get3A_759] : memref<1x32x4xf32, #tpu.memory_space<smem>>
    %get3A_761 = arith.constant 0 : index
    %get3A_762 = arith.constant 11 : index
    %get3A_763 = arith.constant 1 : index
    %get3A_764 = memref.load %arg3[%get3A_761, %get3A_762, %get3A_763] : memref<1x32x4xf32, #tpu.memory_space<smem>>
    %get3A_765 = arith.constant 0 : index
    %get3A_766 = arith.constant 11 : index
    %get3A_767 = arith.constant 2 : index
    %get3A_768 = memref.load %arg3[%get3A_765, %get3A_766, %get3A_767] : memref<1x32x4xf32, #tpu.memory_space<smem>>
    %get3A_769 = arith.constant 0 : index
    %get3A_770 = arith.constant 11 : index
    %get3A_771 = arith.constant 3 : index
    %get3A_772 = memref.load %arg3[%get3A_769, %get3A_770, %get3A_771] : memref<1x32x4xf32, #tpu.memory_space<smem>>
    %get3A_773 = arith.constant 0 : index
    %get3A_774 = arith.constant 0 : index
    %get3A_775 = arith.constant 11 : index
    %get3A_776 = memref.load %arg4[%get3A_773, %get3A_774, %get3A_775] : memref<1x1x32xi32, #tpu.memory_space<smem>>
    %convert_element_type3A_777 = arith.sitofp %get3A_776 : i32 to f32
    %sub3A_778 = arith.subf %get3A_768, %get3A_760 : f32
    %max3A_779 = arith.constant 0.000000e+00 : f32
    %max3A_780 = arith.maximumf %sub3A_778, %max3A_779 : f32
    %sub3A_781 = arith.subf %get3A_772, %get3A_764 : f32
    %max3A_782 = arith.constant 0.000000e+00 : f32
    %max3A_783 = arith.maximumf %sub3A_781, %max3A_782 : f32
    %mul3A_784 = arith.mulf %max3A_780, %max3A_783 : f32
    %min3A_785 = vector.broadcast %get3A_768 : f32 to vector<200x128xf32>
    %min3A_786 = arith.minimumf %add3A, %min3A_785 : vector<200x128xf32>
    %max3A_787 = vector.broadcast %get3A_760 : f32 to vector<200x128xf32>
    %max3A_788 = arith.maximumf %sub3A, %max3A_787 : vector<200x128xf32>
    %sub3A_789 = arith.subf %min3A_786, %max3A_788 : vector<200x128xf32>
    %min3A_790 = vector.broadcast %get3A_772 : f32 to vector<200x128xf32>
    %min3A_791 = arith.minimumf %add3A_31, %min3A_790 : vector<200x128xf32>
    %max3A_792 = vector.broadcast %get3A_764 : f32 to vector<200x128xf32>
    %max3A_793 = arith.maximumf %sub3A_24, %max3A_792 : vector<200x128xf32>
    %sub3A_794 = arith.subf %min3A_791, %max3A_793 : vector<200x128xf32>
    %max3A_795 = arith.constant 0.000000e+00 : f32
    %max3A_796 = vector.broadcast %max3A_795 : f32 to vector<200x128xf32>
    %max3A_797 = arith.maximumf %sub3A_789, %max3A_796 : vector<200x128xf32>
    %max3A_798 = arith.constant 0.000000e+00 : f32
    %max3A_799 = vector.broadcast %max3A_798 : f32 to vector<200x128xf32>
    %max3A_800 = arith.maximumf %sub3A_794, %max3A_799 : vector<200x128xf32>
    %mul3A_801 = arith.mulf %max3A_797, %max3A_800 : vector<200x128xf32>
    %add3A_802 = vector.broadcast %mul3A_784 : f32 to vector<200x128xf32>
    %add3A_803 = arith.addf %mul3A_39, %add3A_802 : vector<200x128xf32>
    %sub3A_804 = arith.subf %add3A_803, %mul3A_801 : vector<200x128xf32>
    %add3A_805 = arith.constant 9.99999971E-10 : f32
    %add3A_806 = vector.broadcast %add3A_805 : f32 to vector<200x128xf32>
    %add3A_807 = arith.addf %sub3A_804, %add3A_806 : vector<200x128xf32>
    %div3A_808 = arith.divf %mul3A_801, %add3A_807 : vector<200x128xf32>
    %gt3A_809 = arith.cmpf ogt, %div3A_808, %select_n3A_746 : vector<200x128xf32>
    %select_n3A_810 = arith.select %gt3A_809, %div3A_808, %select_n3A_746 : vector<200x128xi1>, vector<200x128xf32>
    %broadcast_in_dim3A_811 = vector.broadcast %get3A_760 : f32 to vector<200x128xf32>
    %select_n3A_812 = arith.select %gt3A_809, %broadcast_in_dim3A_811, %select_n3A_748 : vector<200x128xi1>, vector<200x128xf32>
    %broadcast_in_dim3A_813 = vector.broadcast %get3A_764 : f32 to vector<200x128xf32>
    %select_n3A_814 = arith.select %gt3A_809, %broadcast_in_dim3A_813, %select_n3A_750 : vector<200x128xi1>, vector<200x128xf32>
    %broadcast_in_dim3A_815 = vector.broadcast %get3A_768 : f32 to vector<200x128xf32>
    %select_n3A_816 = arith.select %gt3A_809, %broadcast_in_dim3A_815, %select_n3A_752 : vector<200x128xi1>, vector<200x128xf32>
    %broadcast_in_dim3A_817 = vector.broadcast %get3A_772 : f32 to vector<200x128xf32>
    %select_n3A_818 = arith.select %gt3A_809, %broadcast_in_dim3A_817, %select_n3A_754 : vector<200x128xi1>, vector<200x128xf32>
    %broadcast_in_dim3A_819 = vector.broadcast %convert_element_type3A_777 : f32 to vector<200x128xf32>
    %select_n3A_820 = arith.select %gt3A_809, %broadcast_in_dim3A_819, %select_n3A_756 : vector<200x128xi1>, vector<200x128xf32>
    %get3A_821 = arith.constant 0 : index
    %get3A_822 = arith.constant 12 : index
    %get3A_823 = arith.constant 0 : index
    %get3A_824 = memref.load %arg3[%get3A_821, %get3A_822, %get3A_823] : memref<1x32x4xf32, #tpu.memory_space<smem>>
    %get3A_825 = arith.constant 0 : index
    %get3A_826 = arith.constant 12 : index
    %get3A_827 = arith.constant 1 : index
    %get3A_828 = memref.load %arg3[%get3A_825, %get3A_826, %get3A_827] : memref<1x32x4xf32, #tpu.memory_space<smem>>
    %get3A_829 = arith.constant 0 : index
    %get3A_830 = arith.constant 12 : index
    %get3A_831 = arith.constant 2 : index
    %get3A_832 = memref.load %arg3[%get3A_829, %get3A_830, %get3A_831] : memref<1x32x4xf32, #tpu.memory_space<smem>>
    %get3A_833 = arith.constant 0 : index
    %get3A_834 = arith.constant 12 : index
    %get3A_835 = arith.constant 3 : index
    %get3A_836 = memref.load %arg3[%get3A_833, %get3A_834, %get3A_835] : memref<1x32x4xf32, #tpu.memory_space<smem>>
    %get3A_837 = arith.constant 0 : index
    %get3A_838 = arith.constant 0 : index
    %get3A_839 = arith.constant 12 : index
    %get3A_840 = memref.load %arg4[%get3A_837, %get3A_838, %get3A_839] : memref<1x1x32xi32, #tpu.memory_space<smem>>
    %convert_element_type3A_841 = arith.sitofp %get3A_840 : i32 to f32
    %sub3A_842 = arith.subf %get3A_832, %get3A_824 : f32
    %max3A_843 = arith.constant 0.000000e+00 : f32
    %max3A_844 = arith.maximumf %sub3A_842, %max3A_843 : f32
    %sub3A_845 = arith.subf %get3A_836, %get3A_828 : f32
    %max3A_846 = arith.constant 0.000000e+00 : f32
    %max3A_847 = arith.maximumf %sub3A_845, %max3A_846 : f32
    %mul3A_848 = arith.mulf %max3A_844, %max3A_847 : f32
    %min3A_849 = vector.broadcast %get3A_832 : f32 to vector<200x128xf32>
    %min3A_850 = arith.minimumf %add3A, %min3A_849 : vector<200x128xf32>
    %max3A_851 = vector.broadcast %get3A_824 : f32 to vector<200x128xf32>
    %max3A_852 = arith.maximumf %sub3A, %max3A_851 : vector<200x128xf32>
    %sub3A_853 = arith.subf %min3A_850, %max3A_852 : vector<200x128xf32>
    %min3A_854 = vector.broadcast %get3A_836 : f32 to vector<200x128xf32>
    %min3A_855 = arith.minimumf %add3A_31, %min3A_854 : vector<200x128xf32>
    %max3A_856 = vector.broadcast %get3A_828 : f32 to vector<200x128xf32>
    %max3A_857 = arith.maximumf %sub3A_24, %max3A_856 : vector<200x128xf32>
    %sub3A_858 = arith.subf %min3A_855, %max3A_857 : vector<200x128xf32>
    %max3A_859 = arith.constant 0.000000e+00 : f32
    %max3A_860 = vector.broadcast %max3A_859 : f32 to vector<200x128xf32>
    %max3A_861 = arith.maximumf %sub3A_853, %max3A_860 : vector<200x128xf32>
    %max3A_862 = arith.constant 0.000000e+00 : f32
    %max3A_863 = vector.broadcast %max3A_862 : f32 to vector<200x128xf32>
    %max3A_864 = arith.maximumf %sub3A_858, %max3A_863 : vector<200x128xf32>
    %mul3A_865 = arith.mulf %max3A_861, %max3A_864 : vector<200x128xf32>
    %add3A_866 = vector.broadcast %mul3A_848 : f32 to vector<200x128xf32>
    %add3A_867 = arith.addf %mul3A_39, %add3A_866 : vector<200x128xf32>
    %sub3A_868 = arith.subf %add3A_867, %mul3A_865 : vector<200x128xf32>
    %add3A_869 = arith.constant 9.99999971E-10 : f32
    %add3A_870 = vector.broadcast %add3A_869 : f32 to vector<200x128xf32>
    %add3A_871 = arith.addf %sub3A_868, %add3A_870 : vector<200x128xf32>
    %div3A_872 = arith.divf %mul3A_865, %add3A_871 : vector<200x128xf32>
    %gt3A_873 = arith.cmpf ogt, %div3A_872, %select_n3A_810 : vector<200x128xf32>
    %select_n3A_874 = arith.select %gt3A_873, %div3A_872, %select_n3A_810 : vector<200x128xi1>, vector<200x128xf32>
    %broadcast_in_dim3A_875 = vector.broadcast %get3A_824 : f32 to vector<200x128xf32>
    %select_n3A_876 = arith.select %gt3A_873, %broadcast_in_dim3A_875, %select_n3A_812 : vector<200x128xi1>, vector<200x128xf32>
    %broadcast_in_dim3A_877 = vector.broadcast %get3A_828 : f32 to vector<200x128xf32>
    %select_n3A_878 = arith.select %gt3A_873, %broadcast_in_dim3A_877, %select_n3A_814 : vector<200x128xi1>, vector<200x128xf32>
    %broadcast_in_dim3A_879 = vector.broadcast %get3A_832 : f32 to vector<200x128xf32>
    %select_n3A_880 = arith.select %gt3A_873, %broadcast_in_dim3A_879, %select_n3A_816 : vector<200x128xi1>, vector<200x128xf32>
    %broadcast_in_dim3A_881 = vector.broadcast %get3A_836 : f32 to vector<200x128xf32>
    %select_n3A_882 = arith.select %gt3A_873, %broadcast_in_dim3A_881, %select_n3A_818 : vector<200x128xi1>, vector<200x128xf32>
    %broadcast_in_dim3A_883 = vector.broadcast %convert_element_type3A_841 : f32 to vector<200x128xf32>
    %select_n3A_884 = arith.select %gt3A_873, %broadcast_in_dim3A_883, %select_n3A_820 : vector<200x128xi1>, vector<200x128xf32>
    %get3A_885 = arith.constant 0 : index
    %get3A_886 = arith.constant 13 : index
    %get3A_887 = arith.constant 0 : index
    %get3A_888 = memref.load %arg3[%get3A_885, %get3A_886, %get3A_887] : memref<1x32x4xf32, #tpu.memory_space<smem>>
    %get3A_889 = arith.constant 0 : index
    %get3A_890 = arith.constant 13 : index
    %get3A_891 = arith.constant 1 : index
    %get3A_892 = memref.load %arg3[%get3A_889, %get3A_890, %get3A_891] : memref<1x32x4xf32, #tpu.memory_space<smem>>
    %get3A_893 = arith.constant 0 : index
    %get3A_894 = arith.constant 13 : index
    %get3A_895 = arith.constant 2 : index
    %get3A_896 = memref.load %arg3[%get3A_893, %get3A_894, %get3A_895] : memref<1x32x4xf32, #tpu.memory_space<smem>>
    %get3A_897 = arith.constant 0 : index
    %get3A_898 = arith.constant 13 : index
    %get3A_899 = arith.constant 3 : index
    %get3A_900 = memref.load %arg3[%get3A_897, %get3A_898, %get3A_899] : memref<1x32x4xf32, #tpu.memory_space<smem>>
    %get3A_901 = arith.constant 0 : index
    %get3A_902 = arith.constant 0 : index
    %get3A_903 = arith.constant 13 : index
    %get3A_904 = memref.load %arg4[%get3A_901, %get3A_902, %get3A_903] : memref<1x1x32xi32, #tpu.memory_space<smem>>
    %convert_element_type3A_905 = arith.sitofp %get3A_904 : i32 to f32
    %sub3A_906 = arith.subf %get3A_896, %get3A_888 : f32
    %max3A_907 = arith.constant 0.000000e+00 : f32
    %max3A_908 = arith.maximumf %sub3A_906, %max3A_907 : f32
    %sub3A_909 = arith.subf %get3A_900, %get3A_892 : f32
    %max3A_910 = arith.constant 0.000000e+00 : f32
    %max3A_911 = arith.maximumf %sub3A_909, %max3A_910 : f32
    %mul3A_912 = arith.mulf %max3A_908, %max3A_911 : f32
    %min3A_913 = vector.broadcast %get3A_896 : f32 to vector<200x128xf32>
    %min3A_914 = arith.minimumf %add3A, %min3A_913 : vector<200x128xf32>
    %max3A_915 = vector.broadcast %get3A_888 : f32 to vector<200x128xf32>
    %max3A_916 = arith.maximumf %sub3A, %max3A_915 : vector<200x128xf32>
    %sub3A_917 = arith.subf %min3A_914, %max3A_916 : vector<200x128xf32>
    %min3A_918 = vector.broadcast %get3A_900 : f32 to vector<200x128xf32>
    %min3A_919 = arith.minimumf %add3A_31, %min3A_918 : vector<200x128xf32>
    %max3A_920 = vector.broadcast %get3A_892 : f32 to vector<200x128xf32>
    %max3A_921 = arith.maximumf %sub3A_24, %max3A_920 : vector<200x128xf32>
    %sub3A_922 = arith.subf %min3A_919, %max3A_921 : vector<200x128xf32>
    %max3A_923 = arith.constant 0.000000e+00 : f32
    %max3A_924 = vector.broadcast %max3A_923 : f32 to vector<200x128xf32>
    %max3A_925 = arith.maximumf %sub3A_917, %max3A_924 : vector<200x128xf32>
    %max3A_926 = arith.constant 0.000000e+00 : f32
    %max3A_927 = vector.broadcast %max3A_926 : f32 to vector<200x128xf32>
    %max3A_928 = arith.maximumf %sub3A_922, %max3A_927 : vector<200x128xf32>
    %mul3A_929 = arith.mulf %max3A_925, %max3A_928 : vector<200x128xf32>
    %add3A_930 = vector.broadcast %mul3A_912 : f32 to vector<200x128xf32>
    %add3A_931 = arith.addf %mul3A_39, %add3A_930 : vector<200x128xf32>
    %sub3A_932 = arith.subf %add3A_931, %mul3A_929 : vector<200x128xf32>
    %add3A_933 = arith.constant 9.99999971E-10 : f32
    %add3A_934 = vector.broadcast %add3A_933 : f32 to vector<200x128xf32>
    %add3A_935 = arith.addf %sub3A_932, %add3A_934 : vector<200x128xf32>
    %div3A_936 = arith.divf %mul3A_929, %add3A_935 : vector<200x128xf32>
    %gt3A_937 = arith.cmpf ogt, %div3A_936, %select_n3A_874 : vector<200x128xf32>
    %select_n3A_938 = arith.select %gt3A_937, %div3A_936, %select_n3A_874 : vector<200x128xi1>, vector<200x128xf32>
    %broadcast_in_dim3A_939 = vector.broadcast %get3A_888 : f32 to vector<200x128xf32>
    %select_n3A_940 = arith.select %gt3A_937, %broadcast_in_dim3A_939, %select_n3A_876 : vector<200x128xi1>, vector<200x128xf32>
    %broadcast_in_dim3A_941 = vector.broadcast %get3A_892 : f32 to vector<200x128xf32>
    %select_n3A_942 = arith.select %gt3A_937, %broadcast_in_dim3A_941, %select_n3A_878 : vector<200x128xi1>, vector<200x128xf32>
    %broadcast_in_dim3A_943 = vector.broadcast %get3A_896 : f32 to vector<200x128xf32>
    %select_n3A_944 = arith.select %gt3A_937, %broadcast_in_dim3A_943, %select_n3A_880 : vector<200x128xi1>, vector<200x128xf32>
    %broadcast_in_dim3A_945 = vector.broadcast %get3A_900 : f32 to vector<200x128xf32>
    %select_n3A_946 = arith.select %gt3A_937, %broadcast_in_dim3A_945, %select_n3A_882 : vector<200x128xi1>, vector<200x128xf32>
    %broadcast_in_dim3A_947 = vector.broadcast %convert_element_type3A_905 : f32 to vector<200x128xf32>
    %select_n3A_948 = arith.select %gt3A_937, %broadcast_in_dim3A_947, %select_n3A_884 : vector<200x128xi1>, vector<200x128xf32>
    %get3A_949 = arith.constant 0 : index
    %get3A_950 = arith.constant 14 : index
    %get3A_951 = arith.constant 0 : index
    %get3A_952 = memref.load %arg3[%get3A_949, %get3A_950, %get3A_951] : memref<1x32x4xf32, #tpu.memory_space<smem>>
    %get3A_953 = arith.constant 0 : index
    %get3A_954 = arith.constant 14 : index
    %get3A_955 = arith.constant 1 : index
    %get3A_956 = memref.load %arg3[%get3A_953, %get3A_954, %get3A_955] : memref<1x32x4xf32, #tpu.memory_space<smem>>
    %get3A_957 = arith.constant 0 : index
    %get3A_958 = arith.constant 14 : index
    %get3A_959 = arith.constant 2 : index
    %get3A_960 = memref.load %arg3[%get3A_957, %get3A_958, %get3A_959] : memref<1x32x4xf32, #tpu.memory_space<smem>>
    %get3A_961 = arith.constant 0 : index
    %get3A_962 = arith.constant 14 : index
    %get3A_963 = arith.constant 3 : index
    %get3A_964 = memref.load %arg3[%get3A_961, %get3A_962, %get3A_963] : memref<1x32x4xf32, #tpu.memory_space<smem>>
    %get3A_965 = arith.constant 0 : index
    %get3A_966 = arith.constant 0 : index
    %get3A_967 = arith.constant 14 : index
    %get3A_968 = memref.load %arg4[%get3A_965, %get3A_966, %get3A_967] : memref<1x1x32xi32, #tpu.memory_space<smem>>
    %convert_element_type3A_969 = arith.sitofp %get3A_968 : i32 to f32
    %sub3A_970 = arith.subf %get3A_960, %get3A_952 : f32
    %max3A_971 = arith.constant 0.000000e+00 : f32
    %max3A_972 = arith.maximumf %sub3A_970, %max3A_971 : f32
    %sub3A_973 = arith.subf %get3A_964, %get3A_956 : f32
    %max3A_974 = arith.constant 0.000000e+00 : f32
    %max3A_975 = arith.maximumf %sub3A_973, %max3A_974 : f32
    %mul3A_976 = arith.mulf %max3A_972, %max3A_975 : f32
    %min3A_977 = vector.broadcast %get3A_960 : f32 to vector<200x128xf32>
    %min3A_978 = arith.minimumf %add3A, %min3A_977 : vector<200x128xf32>
    %max3A_979 = vector.broadcast %get3A_952 : f32 to vector<200x128xf32>
    %max3A_980 = arith.maximumf %sub3A, %max3A_979 : vector<200x128xf32>
    %sub3A_981 = arith.subf %min3A_978, %max3A_980 : vector<200x128xf32>
    %min3A_982 = vector.broadcast %get3A_964 : f32 to vector<200x128xf32>
    %min3A_983 = arith.minimumf %add3A_31, %min3A_982 : vector<200x128xf32>
    %max3A_984 = vector.broadcast %get3A_956 : f32 to vector<200x128xf32>
    %max3A_985 = arith.maximumf %sub3A_24, %max3A_984 : vector<200x128xf32>
    %sub3A_986 = arith.subf %min3A_983, %max3A_985 : vector<200x128xf32>
    %max3A_987 = arith.constant 0.000000e+00 : f32
    %max3A_988 = vector.broadcast %max3A_987 : f32 to vector<200x128xf32>
    %max3A_989 = arith.maximumf %sub3A_981, %max3A_988 : vector<200x128xf32>
    %max3A_990 = arith.constant 0.000000e+00 : f32
    %max3A_991 = vector.broadcast %max3A_990 : f32 to vector<200x128xf32>
    %max3A_992 = arith.maximumf %sub3A_986, %max3A_991 : vector<200x128xf32>
    %mul3A_993 = arith.mulf %max3A_989, %max3A_992 : vector<200x128xf32>
    %add3A_994 = vector.broadcast %mul3A_976 : f32 to vector<200x128xf32>
    %add3A_995 = arith.addf %mul3A_39, %add3A_994 : vector<200x128xf32>
    %sub3A_996 = arith.subf %add3A_995, %mul3A_993 : vector<200x128xf32>
    %add3A_997 = arith.constant 9.99999971E-10 : f32
    %add3A_998 = vector.broadcast %add3A_997 : f32 to vector<200x128xf32>
    %add3A_999 = arith.addf %sub3A_996, %add3A_998 : vector<200x128xf32>
    %div3A_1000 = arith.divf %mul3A_993, %add3A_999 : vector<200x128xf32>
    %gt3A_1001 = arith.cmpf ogt, %div3A_1000, %select_n3A_938 : vector<200x128xf32>
    %select_n3A_1002 = arith.select %gt3A_1001, %div3A_1000, %select_n3A_938 : vector<200x128xi1>, vector<200x128xf32>
    %broadcast_in_dim3A_1003 = vector.broadcast %get3A_952 : f32 to vector<200x128xf32>
    %select_n3A_1004 = arith.select %gt3A_1001, %broadcast_in_dim3A_1003, %select_n3A_940 : vector<200x128xi1>, vector<200x128xf32>
    %broadcast_in_dim3A_1005 = vector.broadcast %get3A_956 : f32 to vector<200x128xf32>
    %select_n3A_1006 = arith.select %gt3A_1001, %broadcast_in_dim3A_1005, %select_n3A_942 : vector<200x128xi1>, vector<200x128xf32>
    %broadcast_in_dim3A_1007 = vector.broadcast %get3A_960 : f32 to vector<200x128xf32>
    %select_n3A_1008 = arith.select %gt3A_1001, %broadcast_in_dim3A_1007, %select_n3A_944 : vector<200x128xi1>, vector<200x128xf32>
    %broadcast_in_dim3A_1009 = vector.broadcast %get3A_964 : f32 to vector<200x128xf32>
    %select_n3A_1010 = arith.select %gt3A_1001, %broadcast_in_dim3A_1009, %select_n3A_946 : vector<200x128xi1>, vector<200x128xf32>
    %broadcast_in_dim3A_1011 = vector.broadcast %convert_element_type3A_969 : f32 to vector<200x128xf32>
    %select_n3A_1012 = arith.select %gt3A_1001, %broadcast_in_dim3A_1011, %select_n3A_948 : vector<200x128xi1>, vector<200x128xf32>
    %get3A_1013 = arith.constant 0 : index
    %get3A_1014 = arith.constant 15 : index
    %get3A_1015 = arith.constant 0 : index
    %get3A_1016 = memref.load %arg3[%get3A_1013, %get3A_1014, %get3A_1015] : memref<1x32x4xf32, #tpu.memory_space<smem>>
    %get3A_1017 = arith.constant 0 : index
    %get3A_1018 = arith.constant 15 : index
    %get3A_1019 = arith.constant 1 : index
    %get3A_1020 = memref.load %arg3[%get3A_1017, %get3A_1018, %get3A_1019] : memref<1x32x4xf32, #tpu.memory_space<smem>>
    %get3A_1021 = arith.constant 0 : index
    %get3A_1022 = arith.constant 15 : index
    %get3A_1023 = arith.constant 2 : index
    %get3A_1024 = memref.load %arg3[%get3A_1021, %get3A_1022, %get3A_1023] : memref<1x32x4xf32, #tpu.memory_space<smem>>
    %get3A_1025 = arith.constant 0 : index
    %get3A_1026 = arith.constant 15 : index
    %get3A_1027 = arith.constant 3 : index
    %get3A_1028 = memref.load %arg3[%get3A_1025, %get3A_1026, %get3A_1027] : memref<1x32x4xf32, #tpu.memory_space<smem>>
    %get3A_1029 = arith.constant 0 : index
    %get3A_1030 = arith.constant 0 : index
    %get3A_1031 = arith.constant 15 : index
    %get3A_1032 = memref.load %arg4[%get3A_1029, %get3A_1030, %get3A_1031] : memref<1x1x32xi32, #tpu.memory_space<smem>>
    %convert_element_type3A_1033 = arith.sitofp %get3A_1032 : i32 to f32
    %sub3A_1034 = arith.subf %get3A_1024, %get3A_1016 : f32
    %max3A_1035 = arith.constant 0.000000e+00 : f32
    %max3A_1036 = arith.maximumf %sub3A_1034, %max3A_1035 : f32
    %sub3A_1037 = arith.subf %get3A_1028, %get3A_1020 : f32
    %max3A_1038 = arith.constant 0.000000e+00 : f32
    %max3A_1039 = arith.maximumf %sub3A_1037, %max3A_1038 : f32
    %mul3A_1040 = arith.mulf %max3A_1036, %max3A_1039 : f32
    %min3A_1041 = vector.broadcast %get3A_1024 : f32 to vector<200x128xf32>
    %min3A_1042 = arith.minimumf %add3A, %min3A_1041 : vector<200x128xf32>
    %max3A_1043 = vector.broadcast %get3A_1016 : f32 to vector<200x128xf32>
    %max3A_1044 = arith.maximumf %sub3A, %max3A_1043 : vector<200x128xf32>
    %sub3A_1045 = arith.subf %min3A_1042, %max3A_1044 : vector<200x128xf32>
    %min3A_1046 = vector.broadcast %get3A_1028 : f32 to vector<200x128xf32>
    %min3A_1047 = arith.minimumf %add3A_31, %min3A_1046 : vector<200x128xf32>
    %max3A_1048 = vector.broadcast %get3A_1020 : f32 to vector<200x128xf32>
    %max3A_1049 = arith.maximumf %sub3A_24, %max3A_1048 : vector<200x128xf32>
    %sub3A_1050 = arith.subf %min3A_1047, %max3A_1049 : vector<200x128xf32>
    %max3A_1051 = arith.constant 0.000000e+00 : f32
    %max3A_1052 = vector.broadcast %max3A_1051 : f32 to vector<200x128xf32>
    %max3A_1053 = arith.maximumf %sub3A_1045, %max3A_1052 : vector<200x128xf32>
    %max3A_1054 = arith.constant 0.000000e+00 : f32
    %max3A_1055 = vector.broadcast %max3A_1054 : f32 to vector<200x128xf32>
    %max3A_1056 = arith.maximumf %sub3A_1050, %max3A_1055 : vector<200x128xf32>
    %mul3A_1057 = arith.mulf %max3A_1053, %max3A_1056 : vector<200x128xf32>
    %add3A_1058 = vector.broadcast %mul3A_1040 : f32 to vector<200x128xf32>
    %add3A_1059 = arith.addf %mul3A_39, %add3A_1058 : vector<200x128xf32>
    %sub3A_1060 = arith.subf %add3A_1059, %mul3A_1057 : vector<200x128xf32>
    %add3A_1061 = arith.constant 9.99999971E-10 : f32
    %add3A_1062 = vector.broadcast %add3A_1061 : f32 to vector<200x128xf32>
    %add3A_1063 = arith.addf %sub3A_1060, %add3A_1062 : vector<200x128xf32>
    %div3A_1064 = arith.divf %mul3A_1057, %add3A_1063 : vector<200x128xf32>
    %gt3A_1065 = arith.cmpf ogt, %div3A_1064, %select_n3A_1002 : vector<200x128xf32>
    %select_n3A_1066 = arith.select %gt3A_1065, %div3A_1064, %select_n3A_1002 : vector<200x128xi1>, vector<200x128xf32>
    %broadcast_in_dim3A_1067 = vector.broadcast %get3A_1016 : f32 to vector<200x128xf32>
    %select_n3A_1068 = arith.select %gt3A_1065, %broadcast_in_dim3A_1067, %select_n3A_1004 : vector<200x128xi1>, vector<200x128xf32>
    %broadcast_in_dim3A_1069 = vector.broadcast %get3A_1020 : f32 to vector<200x128xf32>
    %select_n3A_1070 = arith.select %gt3A_1065, %broadcast_in_dim3A_1069, %select_n3A_1006 : vector<200x128xi1>, vector<200x128xf32>
    %broadcast_in_dim3A_1071 = vector.broadcast %get3A_1024 : f32 to vector<200x128xf32>
    %select_n3A_1072 = arith.select %gt3A_1065, %broadcast_in_dim3A_1071, %select_n3A_1008 : vector<200x128xi1>, vector<200x128xf32>
    %broadcast_in_dim3A_1073 = vector.broadcast %get3A_1028 : f32 to vector<200x128xf32>
    %select_n3A_1074 = arith.select %gt3A_1065, %broadcast_in_dim3A_1073, %select_n3A_1010 : vector<200x128xi1>, vector<200x128xf32>
    %broadcast_in_dim3A_1075 = vector.broadcast %convert_element_type3A_1033 : f32 to vector<200x128xf32>
    %select_n3A_1076 = arith.select %gt3A_1065, %broadcast_in_dim3A_1075, %select_n3A_1012 : vector<200x128xi1>, vector<200x128xf32>
    %get3A_1077 = arith.constant 0 : index
    %get3A_1078 = arith.constant 16 : index
    %get3A_1079 = arith.constant 0 : index
    %get3A_1080 = memref.load %arg3[%get3A_1077, %get3A_1078, %get3A_1079] : memref<1x32x4xf32, #tpu.memory_space<smem>>
    %get3A_1081 = arith.constant 0 : index
    %get3A_1082 = arith.constant 16 : index
    %get3A_1083 = arith.constant 1 : index
    %get3A_1084 = memref.load %arg3[%get3A_1081, %get3A_1082, %get3A_1083] : memref<1x32x4xf32, #tpu.memory_space<smem>>
    %get3A_1085 = arith.constant 0 : index
    %get3A_1086 = arith.constant 16 : index
    %get3A_1087 = arith.constant 2 : index
    %get3A_1088 = memref.load %arg3[%get3A_1085, %get3A_1086, %get3A_1087] : memref<1x32x4xf32, #tpu.memory_space<smem>>
    %get3A_1089 = arith.constant 0 : index
    %get3A_1090 = arith.constant 16 : index
    %get3A_1091 = arith.constant 3 : index
    %get3A_1092 = memref.load %arg3[%get3A_1089, %get3A_1090, %get3A_1091] : memref<1x32x4xf32, #tpu.memory_space<smem>>
    %get3A_1093 = arith.constant 0 : index
    %get3A_1094 = arith.constant 0 : index
    %get3A_1095 = arith.constant 16 : index
    %get3A_1096 = memref.load %arg4[%get3A_1093, %get3A_1094, %get3A_1095] : memref<1x1x32xi32, #tpu.memory_space<smem>>
    %convert_element_type3A_1097 = arith.sitofp %get3A_1096 : i32 to f32
    %sub3A_1098 = arith.subf %get3A_1088, %get3A_1080 : f32
    %max3A_1099 = arith.constant 0.000000e+00 : f32
    %max3A_1100 = arith.maximumf %sub3A_1098, %max3A_1099 : f32
    %sub3A_1101 = arith.subf %get3A_1092, %get3A_1084 : f32
    %max3A_1102 = arith.constant 0.000000e+00 : f32
    %max3A_1103 = arith.maximumf %sub3A_1101, %max3A_1102 : f32
    %mul3A_1104 = arith.mulf %max3A_1100, %max3A_1103 : f32
    %min3A_1105 = vector.broadcast %get3A_1088 : f32 to vector<200x128xf32>
    %min3A_1106 = arith.minimumf %add3A, %min3A_1105 : vector<200x128xf32>
    %max3A_1107 = vector.broadcast %get3A_1080 : f32 to vector<200x128xf32>
    %max3A_1108 = arith.maximumf %sub3A, %max3A_1107 : vector<200x128xf32>
    %sub3A_1109 = arith.subf %min3A_1106, %max3A_1108 : vector<200x128xf32>
    %min3A_1110 = vector.broadcast %get3A_1092 : f32 to vector<200x128xf32>
    %min3A_1111 = arith.minimumf %add3A_31, %min3A_1110 : vector<200x128xf32>
    %max3A_1112 = vector.broadcast %get3A_1084 : f32 to vector<200x128xf32>
    %max3A_1113 = arith.maximumf %sub3A_24, %max3A_1112 : vector<200x128xf32>
    %sub3A_1114 = arith.subf %min3A_1111, %max3A_1113 : vector<200x128xf32>
    %max3A_1115 = arith.constant 0.000000e+00 : f32
    %max3A_1116 = vector.broadcast %max3A_1115 : f32 to vector<200x128xf32>
    %max3A_1117 = arith.maximumf %sub3A_1109, %max3A_1116 : vector<200x128xf32>
    %max3A_1118 = arith.constant 0.000000e+00 : f32
    %max3A_1119 = vector.broadcast %max3A_1118 : f32 to vector<200x128xf32>
    %max3A_1120 = arith.maximumf %sub3A_1114, %max3A_1119 : vector<200x128xf32>
    %mul3A_1121 = arith.mulf %max3A_1117, %max3A_1120 : vector<200x128xf32>
    %add3A_1122 = vector.broadcast %mul3A_1104 : f32 to vector<200x128xf32>
    %add3A_1123 = arith.addf %mul3A_39, %add3A_1122 : vector<200x128xf32>
    %sub3A_1124 = arith.subf %add3A_1123, %mul3A_1121 : vector<200x128xf32>
    %add3A_1125 = arith.constant 9.99999971E-10 : f32
    %add3A_1126 = vector.broadcast %add3A_1125 : f32 to vector<200x128xf32>
    %add3A_1127 = arith.addf %sub3A_1124, %add3A_1126 : vector<200x128xf32>
    %div3A_1128 = arith.divf %mul3A_1121, %add3A_1127 : vector<200x128xf32>
    %gt3A_1129 = arith.cmpf ogt, %div3A_1128, %select_n3A_1066 : vector<200x128xf32>
    %select_n3A_1130 = arith.select %gt3A_1129, %div3A_1128, %select_n3A_1066 : vector<200x128xi1>, vector<200x128xf32>
    %broadcast_in_dim3A_1131 = vector.broadcast %get3A_1080 : f32 to vector<200x128xf32>
    %select_n3A_1132 = arith.select %gt3A_1129, %broadcast_in_dim3A_1131, %select_n3A_1068 : vector<200x128xi1>, vector<200x128xf32>
    %broadcast_in_dim3A_1133 = vector.broadcast %get3A_1084 : f32 to vector<200x128xf32>
    %select_n3A_1134 = arith.select %gt3A_1129, %broadcast_in_dim3A_1133, %select_n3A_1070 : vector<200x128xi1>, vector<200x128xf32>
    %broadcast_in_dim3A_1135 = vector.broadcast %get3A_1088 : f32 to vector<200x128xf32>
    %select_n3A_1136 = arith.select %gt3A_1129, %broadcast_in_dim3A_1135, %select_n3A_1072 : vector<200x128xi1>, vector<200x128xf32>
    %broadcast_in_dim3A_1137 = vector.broadcast %get3A_1092 : f32 to vector<200x128xf32>
    %select_n3A_1138 = arith.select %gt3A_1129, %broadcast_in_dim3A_1137, %select_n3A_1074 : vector<200x128xi1>, vector<200x128xf32>
    %broadcast_in_dim3A_1139 = vector.broadcast %convert_element_type3A_1097 : f32 to vector<200x128xf32>
    %select_n3A_1140 = arith.select %gt3A_1129, %broadcast_in_dim3A_1139, %select_n3A_1076 : vector<200x128xi1>, vector<200x128xf32>
    %get3A_1141 = arith.constant 0 : index
    %get3A_1142 = arith.constant 17 : index
    %get3A_1143 = arith.constant 0 : index
    %get3A_1144 = memref.load %arg3[%get3A_1141, %get3A_1142, %get3A_1143] : memref<1x32x4xf32, #tpu.memory_space<smem>>
    %get3A_1145 = arith.constant 0 : index
    %get3A_1146 = arith.constant 17 : index
    %get3A_1147 = arith.constant 1 : index
    %get3A_1148 = memref.load %arg3[%get3A_1145, %get3A_1146, %get3A_1147] : memref<1x32x4xf32, #tpu.memory_space<smem>>
    %get3A_1149 = arith.constant 0 : index
    %get3A_1150 = arith.constant 17 : index
    %get3A_1151 = arith.constant 2 : index
    %get3A_1152 = memref.load %arg3[%get3A_1149, %get3A_1150, %get3A_1151] : memref<1x32x4xf32, #tpu.memory_space<smem>>
    %get3A_1153 = arith.constant 0 : index
    %get3A_1154 = arith.constant 17 : index
    %get3A_1155 = arith.constant 3 : index
    %get3A_1156 = memref.load %arg3[%get3A_1153, %get3A_1154, %get3A_1155] : memref<1x32x4xf32, #tpu.memory_space<smem>>
    %get3A_1157 = arith.constant 0 : index
    %get3A_1158 = arith.constant 0 : index
    %get3A_1159 = arith.constant 17 : index
    %get3A_1160 = memref.load %arg4[%get3A_1157, %get3A_1158, %get3A_1159] : memref<1x1x32xi32, #tpu.memory_space<smem>>
    %convert_element_type3A_1161 = arith.sitofp %get3A_1160 : i32 to f32
    %sub3A_1162 = arith.subf %get3A_1152, %get3A_1144 : f32
    %max3A_1163 = arith.constant 0.000000e+00 : f32
    %max3A_1164 = arith.maximumf %sub3A_1162, %max3A_1163 : f32
    %sub3A_1165 = arith.subf %get3A_1156, %get3A_1148 : f32
    %max3A_1166 = arith.constant 0.000000e+00 : f32
    %max3A_1167 = arith.maximumf %sub3A_1165, %max3A_1166 : f32
    %mul3A_1168 = arith.mulf %max3A_1164, %max3A_1167 : f32
    %min3A_1169 = vector.broadcast %get3A_1152 : f32 to vector<200x128xf32>
    %min3A_1170 = arith.minimumf %add3A, %min3A_1169 : vector<200x128xf32>
    %max3A_1171 = vector.broadcast %get3A_1144 : f32 to vector<200x128xf32>
    %max3A_1172 = arith.maximumf %sub3A, %max3A_1171 : vector<200x128xf32>
    %sub3A_1173 = arith.subf %min3A_1170, %max3A_1172 : vector<200x128xf32>
    %min3A_1174 = vector.broadcast %get3A_1156 : f32 to vector<200x128xf32>
    %min3A_1175 = arith.minimumf %add3A_31, %min3A_1174 : vector<200x128xf32>
    %max3A_1176 = vector.broadcast %get3A_1148 : f32 to vector<200x128xf32>
    %max3A_1177 = arith.maximumf %sub3A_24, %max3A_1176 : vector<200x128xf32>
    %sub3A_1178 = arith.subf %min3A_1175, %max3A_1177 : vector<200x128xf32>
    %max3A_1179 = arith.constant 0.000000e+00 : f32
    %max3A_1180 = vector.broadcast %max3A_1179 : f32 to vector<200x128xf32>
    %max3A_1181 = arith.maximumf %sub3A_1173, %max3A_1180 : vector<200x128xf32>
    %max3A_1182 = arith.constant 0.000000e+00 : f32
    %max3A_1183 = vector.broadcast %max3A_1182 : f32 to vector<200x128xf32>
    %max3A_1184 = arith.maximumf %sub3A_1178, %max3A_1183 : vector<200x128xf32>
    %mul3A_1185 = arith.mulf %max3A_1181, %max3A_1184 : vector<200x128xf32>
    %add3A_1186 = vector.broadcast %mul3A_1168 : f32 to vector<200x128xf32>
    %add3A_1187 = arith.addf %mul3A_39, %add3A_1186 : vector<200x128xf32>
    %sub3A_1188 = arith.subf %add3A_1187, %mul3A_1185 : vector<200x128xf32>
    %add3A_1189 = arith.constant 9.99999971E-10 : f32
    %add3A_1190 = vector.broadcast %add3A_1189 : f32 to vector<200x128xf32>
    %add3A_1191 = arith.addf %sub3A_1188, %add3A_1190 : vector<200x128xf32>
    %div3A_1192 = arith.divf %mul3A_1185, %add3A_1191 : vector<200x128xf32>
    %gt3A_1193 = arith.cmpf ogt, %div3A_1192, %select_n3A_1130 : vector<200x128xf32>
    %select_n3A_1194 = arith.select %gt3A_1193, %div3A_1192, %select_n3A_1130 : vector<200x128xi1>, vector<200x128xf32>
    %broadcast_in_dim3A_1195 = vector.broadcast %get3A_1144 : f32 to vector<200x128xf32>
    %select_n3A_1196 = arith.select %gt3A_1193, %broadcast_in_dim3A_1195, %select_n3A_1132 : vector<200x128xi1>, vector<200x128xf32>
    %broadcast_in_dim3A_1197 = vector.broadcast %get3A_1148 : f32 to vector<200x128xf32>
    %select_n3A_1198 = arith.select %gt3A_1193, %broadcast_in_dim3A_1197, %select_n3A_1134 : vector<200x128xi1>, vector<200x128xf32>
    %broadcast_in_dim3A_1199 = vector.broadcast %get3A_1152 : f32 to vector<200x128xf32>
    %select_n3A_1200 = arith.select %gt3A_1193, %broadcast_in_dim3A_1199, %select_n3A_1136 : vector<200x128xi1>, vector<200x128xf32>
    %broadcast_in_dim3A_1201 = vector.broadcast %get3A_1156 : f32 to vector<200x128xf32>
    %select_n3A_1202 = arith.select %gt3A_1193, %broadcast_in_dim3A_1201, %select_n3A_1138 : vector<200x128xi1>, vector<200x128xf32>
    %broadcast_in_dim3A_1203 = vector.broadcast %convert_element_type3A_1161 : f32 to vector<200x128xf32>
    %select_n3A_1204 = arith.select %gt3A_1193, %broadcast_in_dim3A_1203, %select_n3A_1140 : vector<200x128xi1>, vector<200x128xf32>
    %get3A_1205 = arith.constant 0 : index
    %get3A_1206 = arith.constant 18 : index
    %get3A_1207 = arith.constant 0 : index
    %get3A_1208 = memref.load %arg3[%get3A_1205, %get3A_1206, %get3A_1207] : memref<1x32x4xf32, #tpu.memory_space<smem>>
    %get3A_1209 = arith.constant 0 : index
    %get3A_1210 = arith.constant 18 : index
    %get3A_1211 = arith.constant 1 : index
    %get3A_1212 = memref.load %arg3[%get3A_1209, %get3A_1210, %get3A_1211] : memref<1x32x4xf32, #tpu.memory_space<smem>>
    %get3A_1213 = arith.constant 0 : index
    %get3A_1214 = arith.constant 18 : index
    %get3A_1215 = arith.constant 2 : index
    %get3A_1216 = memref.load %arg3[%get3A_1213, %get3A_1214, %get3A_1215] : memref<1x32x4xf32, #tpu.memory_space<smem>>
    %get3A_1217 = arith.constant 0 : index
    %get3A_1218 = arith.constant 18 : index
    %get3A_1219 = arith.constant 3 : index
    %get3A_1220 = memref.load %arg3[%get3A_1217, %get3A_1218, %get3A_1219] : memref<1x32x4xf32, #tpu.memory_space<smem>>
    %get3A_1221 = arith.constant 0 : index
    %get3A_1222 = arith.constant 0 : index
    %get3A_1223 = arith.constant 18 : index
    %get3A_1224 = memref.load %arg4[%get3A_1221, %get3A_1222, %get3A_1223] : memref<1x1x32xi32, #tpu.memory_space<smem>>
    %convert_element_type3A_1225 = arith.sitofp %get3A_1224 : i32 to f32
    %sub3A_1226 = arith.subf %get3A_1216, %get3A_1208 : f32
    %max3A_1227 = arith.constant 0.000000e+00 : f32
    %max3A_1228 = arith.maximumf %sub3A_1226, %max3A_1227 : f32
    %sub3A_1229 = arith.subf %get3A_1220, %get3A_1212 : f32
    %max3A_1230 = arith.constant 0.000000e+00 : f32
    %max3A_1231 = arith.maximumf %sub3A_1229, %max3A_1230 : f32
    %mul3A_1232 = arith.mulf %max3A_1228, %max3A_1231 : f32
    %min3A_1233 = vector.broadcast %get3A_1216 : f32 to vector<200x128xf32>
    %min3A_1234 = arith.minimumf %add3A, %min3A_1233 : vector<200x128xf32>
    %max3A_1235 = vector.broadcast %get3A_1208 : f32 to vector<200x128xf32>
    %max3A_1236 = arith.maximumf %sub3A, %max3A_1235 : vector<200x128xf32>
    %sub3A_1237 = arith.subf %min3A_1234, %max3A_1236 : vector<200x128xf32>
    %min3A_1238 = vector.broadcast %get3A_1220 : f32 to vector<200x128xf32>
    %min3A_1239 = arith.minimumf %add3A_31, %min3A_1238 : vector<200x128xf32>
    %max3A_1240 = vector.broadcast %get3A_1212 : f32 to vector<200x128xf32>
    %max3A_1241 = arith.maximumf %sub3A_24, %max3A_1240 : vector<200x128xf32>
    %sub3A_1242 = arith.subf %min3A_1239, %max3A_1241 : vector<200x128xf32>
    %max3A_1243 = arith.constant 0.000000e+00 : f32
    %max3A_1244 = vector.broadcast %max3A_1243 : f32 to vector<200x128xf32>
    %max3A_1245 = arith.maximumf %sub3A_1237, %max3A_1244 : vector<200x128xf32>
    %max3A_1246 = arith.constant 0.000000e+00 : f32
    %max3A_1247 = vector.broadcast %max3A_1246 : f32 to vector<200x128xf32>
    %max3A_1248 = arith.maximumf %sub3A_1242, %max3A_1247 : vector<200x128xf32>
    %mul3A_1249 = arith.mulf %max3A_1245, %max3A_1248 : vector<200x128xf32>
    %add3A_1250 = vector.broadcast %mul3A_1232 : f32 to vector<200x128xf32>
    %add3A_1251 = arith.addf %mul3A_39, %add3A_1250 : vector<200x128xf32>
    %sub3A_1252 = arith.subf %add3A_1251, %mul3A_1249 : vector<200x128xf32>
    %add3A_1253 = arith.constant 9.99999971E-10 : f32
    %add3A_1254 = vector.broadcast %add3A_1253 : f32 to vector<200x128xf32>
    %add3A_1255 = arith.addf %sub3A_1252, %add3A_1254 : vector<200x128xf32>
    %div3A_1256 = arith.divf %mul3A_1249, %add3A_1255 : vector<200x128xf32>
    %gt3A_1257 = arith.cmpf ogt, %div3A_1256, %select_n3A_1194 : vector<200x128xf32>
    %select_n3A_1258 = arith.select %gt3A_1257, %div3A_1256, %select_n3A_1194 : vector<200x128xi1>, vector<200x128xf32>
    %broadcast_in_dim3A_1259 = vector.broadcast %get3A_1208 : f32 to vector<200x128xf32>
    %select_n3A_1260 = arith.select %gt3A_1257, %broadcast_in_dim3A_1259, %select_n3A_1196 : vector<200x128xi1>, vector<200x128xf32>
    %broadcast_in_dim3A_1261 = vector.broadcast %get3A_1212 : f32 to vector<200x128xf32>
    %select_n3A_1262 = arith.select %gt3A_1257, %broadcast_in_dim3A_1261, %select_n3A_1198 : vector<200x128xi1>, vector<200x128xf32>
    %broadcast_in_dim3A_1263 = vector.broadcast %get3A_1216 : f32 to vector<200x128xf32>
    %select_n3A_1264 = arith.select %gt3A_1257, %broadcast_in_dim3A_1263, %select_n3A_1200 : vector<200x128xi1>, vector<200x128xf32>
    %broadcast_in_dim3A_1265 = vector.broadcast %get3A_1220 : f32 to vector<200x128xf32>
    %select_n3A_1266 = arith.select %gt3A_1257, %broadcast_in_dim3A_1265, %select_n3A_1202 : vector<200x128xi1>, vector<200x128xf32>
    %broadcast_in_dim3A_1267 = vector.broadcast %convert_element_type3A_1225 : f32 to vector<200x128xf32>
    %select_n3A_1268 = arith.select %gt3A_1257, %broadcast_in_dim3A_1267, %select_n3A_1204 : vector<200x128xi1>, vector<200x128xf32>
    %get3A_1269 = arith.constant 0 : index
    %get3A_1270 = arith.constant 19 : index
    %get3A_1271 = arith.constant 0 : index
    %get3A_1272 = memref.load %arg3[%get3A_1269, %get3A_1270, %get3A_1271] : memref<1x32x4xf32, #tpu.memory_space<smem>>
    %get3A_1273 = arith.constant 0 : index
    %get3A_1274 = arith.constant 19 : index
    %get3A_1275 = arith.constant 1 : index
    %get3A_1276 = memref.load %arg3[%get3A_1273, %get3A_1274, %get3A_1275] : memref<1x32x4xf32, #tpu.memory_space<smem>>
    %get3A_1277 = arith.constant 0 : index
    %get3A_1278 = arith.constant 19 : index
    %get3A_1279 = arith.constant 2 : index
    %get3A_1280 = memref.load %arg3[%get3A_1277, %get3A_1278, %get3A_1279] : memref<1x32x4xf32, #tpu.memory_space<smem>>
    %get3A_1281 = arith.constant 0 : index
    %get3A_1282 = arith.constant 19 : index
    %get3A_1283 = arith.constant 3 : index
    %get3A_1284 = memref.load %arg3[%get3A_1281, %get3A_1282, %get3A_1283] : memref<1x32x4xf32, #tpu.memory_space<smem>>
    %get3A_1285 = arith.constant 0 : index
    %get3A_1286 = arith.constant 0 : index
    %get3A_1287 = arith.constant 19 : index
    %get3A_1288 = memref.load %arg4[%get3A_1285, %get3A_1286, %get3A_1287] : memref<1x1x32xi32, #tpu.memory_space<smem>>
    %convert_element_type3A_1289 = arith.sitofp %get3A_1288 : i32 to f32
    %sub3A_1290 = arith.subf %get3A_1280, %get3A_1272 : f32
    %max3A_1291 = arith.constant 0.000000e+00 : f32
    %max3A_1292 = arith.maximumf %sub3A_1290, %max3A_1291 : f32
    %sub3A_1293 = arith.subf %get3A_1284, %get3A_1276 : f32
    %max3A_1294 = arith.constant 0.000000e+00 : f32
    %max3A_1295 = arith.maximumf %sub3A_1293, %max3A_1294 : f32
    %mul3A_1296 = arith.mulf %max3A_1292, %max3A_1295 : f32
    %min3A_1297 = vector.broadcast %get3A_1280 : f32 to vector<200x128xf32>
    %min3A_1298 = arith.minimumf %add3A, %min3A_1297 : vector<200x128xf32>
    %max3A_1299 = vector.broadcast %get3A_1272 : f32 to vector<200x128xf32>
    %max3A_1300 = arith.maximumf %sub3A, %max3A_1299 : vector<200x128xf32>
    %sub3A_1301 = arith.subf %min3A_1298, %max3A_1300 : vector<200x128xf32>
    %min3A_1302 = vector.broadcast %get3A_1284 : f32 to vector<200x128xf32>
    %min3A_1303 = arith.minimumf %add3A_31, %min3A_1302 : vector<200x128xf32>
    %max3A_1304 = vector.broadcast %get3A_1276 : f32 to vector<200x128xf32>
    %max3A_1305 = arith.maximumf %sub3A_24, %max3A_1304 : vector<200x128xf32>
    %sub3A_1306 = arith.subf %min3A_1303, %max3A_1305 : vector<200x128xf32>
    %max3A_1307 = arith.constant 0.000000e+00 : f32
    %max3A_1308 = vector.broadcast %max3A_1307 : f32 to vector<200x128xf32>
    %max3A_1309 = arith.maximumf %sub3A_1301, %max3A_1308 : vector<200x128xf32>
    %max3A_1310 = arith.constant 0.000000e+00 : f32
    %max3A_1311 = vector.broadcast %max3A_1310 : f32 to vector<200x128xf32>
    %max3A_1312 = arith.maximumf %sub3A_1306, %max3A_1311 : vector<200x128xf32>
    %mul3A_1313 = arith.mulf %max3A_1309, %max3A_1312 : vector<200x128xf32>
    %add3A_1314 = vector.broadcast %mul3A_1296 : f32 to vector<200x128xf32>
    %add3A_1315 = arith.addf %mul3A_39, %add3A_1314 : vector<200x128xf32>
    %sub3A_1316 = arith.subf %add3A_1315, %mul3A_1313 : vector<200x128xf32>
    %add3A_1317 = arith.constant 9.99999971E-10 : f32
    %add3A_1318 = vector.broadcast %add3A_1317 : f32 to vector<200x128xf32>
    %add3A_1319 = arith.addf %sub3A_1316, %add3A_1318 : vector<200x128xf32>
    %div3A_1320 = arith.divf %mul3A_1313, %add3A_1319 : vector<200x128xf32>
    %gt3A_1321 = arith.cmpf ogt, %div3A_1320, %select_n3A_1258 : vector<200x128xf32>
    %select_n3A_1322 = arith.select %gt3A_1321, %div3A_1320, %select_n3A_1258 : vector<200x128xi1>, vector<200x128xf32>
    %broadcast_in_dim3A_1323 = vector.broadcast %get3A_1272 : f32 to vector<200x128xf32>
    %select_n3A_1324 = arith.select %gt3A_1321, %broadcast_in_dim3A_1323, %select_n3A_1260 : vector<200x128xi1>, vector<200x128xf32>
    %broadcast_in_dim3A_1325 = vector.broadcast %get3A_1276 : f32 to vector<200x128xf32>
    %select_n3A_1326 = arith.select %gt3A_1321, %broadcast_in_dim3A_1325, %select_n3A_1262 : vector<200x128xi1>, vector<200x128xf32>
    %broadcast_in_dim3A_1327 = vector.broadcast %get3A_1280 : f32 to vector<200x128xf32>
    %select_n3A_1328 = arith.select %gt3A_1321, %broadcast_in_dim3A_1327, %select_n3A_1264 : vector<200x128xi1>, vector<200x128xf32>
    %broadcast_in_dim3A_1329 = vector.broadcast %get3A_1284 : f32 to vector<200x128xf32>
    %select_n3A_1330 = arith.select %gt3A_1321, %broadcast_in_dim3A_1329, %select_n3A_1266 : vector<200x128xi1>, vector<200x128xf32>
    %broadcast_in_dim3A_1331 = vector.broadcast %convert_element_type3A_1289 : f32 to vector<200x128xf32>
    %select_n3A_1332 = arith.select %gt3A_1321, %broadcast_in_dim3A_1331, %select_n3A_1268 : vector<200x128xi1>, vector<200x128xf32>
    %get3A_1333 = arith.constant 0 : index
    %get3A_1334 = arith.constant 20 : index
    %get3A_1335 = arith.constant 0 : index
    %get3A_1336 = memref.load %arg3[%get3A_1333, %get3A_1334, %get3A_1335] : memref<1x32x4xf32, #tpu.memory_space<smem>>
    %get3A_1337 = arith.constant 0 : index
    %get3A_1338 = arith.constant 20 : index
    %get3A_1339 = arith.constant 1 : index
    %get3A_1340 = memref.load %arg3[%get3A_1337, %get3A_1338, %get3A_1339] : memref<1x32x4xf32, #tpu.memory_space<smem>>
    %get3A_1341 = arith.constant 0 : index
    %get3A_1342 = arith.constant 20 : index
    %get3A_1343 = arith.constant 2 : index
    %get3A_1344 = memref.load %arg3[%get3A_1341, %get3A_1342, %get3A_1343] : memref<1x32x4xf32, #tpu.memory_space<smem>>
    %get3A_1345 = arith.constant 0 : index
    %get3A_1346 = arith.constant 20 : index
    %get3A_1347 = arith.constant 3 : index
    %get3A_1348 = memref.load %arg3[%get3A_1345, %get3A_1346, %get3A_1347] : memref<1x32x4xf32, #tpu.memory_space<smem>>
    %get3A_1349 = arith.constant 0 : index
    %get3A_1350 = arith.constant 0 : index
    %get3A_1351 = arith.constant 20 : index
    %get3A_1352 = memref.load %arg4[%get3A_1349, %get3A_1350, %get3A_1351] : memref<1x1x32xi32, #tpu.memory_space<smem>>
    %convert_element_type3A_1353 = arith.sitofp %get3A_1352 : i32 to f32
    %sub3A_1354 = arith.subf %get3A_1344, %get3A_1336 : f32
    %max3A_1355 = arith.constant 0.000000e+00 : f32
    %max3A_1356 = arith.maximumf %sub3A_1354, %max3A_1355 : f32
    %sub3A_1357 = arith.subf %get3A_1348, %get3A_1340 : f32
    %max3A_1358 = arith.constant 0.000000e+00 : f32
    %max3A_1359 = arith.maximumf %sub3A_1357, %max3A_1358 : f32
    %mul3A_1360 = arith.mulf %max3A_1356, %max3A_1359 : f32
    %min3A_1361 = vector.broadcast %get3A_1344 : f32 to vector<200x128xf32>
    %min3A_1362 = arith.minimumf %add3A, %min3A_1361 : vector<200x128xf32>
    %max3A_1363 = vector.broadcast %get3A_1336 : f32 to vector<200x128xf32>
    %max3A_1364 = arith.maximumf %sub3A, %max3A_1363 : vector<200x128xf32>
    %sub3A_1365 = arith.subf %min3A_1362, %max3A_1364 : vector<200x128xf32>
    %min3A_1366 = vector.broadcast %get3A_1348 : f32 to vector<200x128xf32>
    %min3A_1367 = arith.minimumf %add3A_31, %min3A_1366 : vector<200x128xf32>
    %max3A_1368 = vector.broadcast %get3A_1340 : f32 to vector<200x128xf32>
    %max3A_1369 = arith.maximumf %sub3A_24, %max3A_1368 : vector<200x128xf32>
    %sub3A_1370 = arith.subf %min3A_1367, %max3A_1369 : vector<200x128xf32>
    %max3A_1371 = arith.constant 0.000000e+00 : f32
    %max3A_1372 = vector.broadcast %max3A_1371 : f32 to vector<200x128xf32>
    %max3A_1373 = arith.maximumf %sub3A_1365, %max3A_1372 : vector<200x128xf32>
    %max3A_1374 = arith.constant 0.000000e+00 : f32
    %max3A_1375 = vector.broadcast %max3A_1374 : f32 to vector<200x128xf32>
    %max3A_1376 = arith.maximumf %sub3A_1370, %max3A_1375 : vector<200x128xf32>
    %mul3A_1377 = arith.mulf %max3A_1373, %max3A_1376 : vector<200x128xf32>
    %add3A_1378 = vector.broadcast %mul3A_1360 : f32 to vector<200x128xf32>
    %add3A_1379 = arith.addf %mul3A_39, %add3A_1378 : vector<200x128xf32>
    %sub3A_1380 = arith.subf %add3A_1379, %mul3A_1377 : vector<200x128xf32>
    %add3A_1381 = arith.constant 9.99999971E-10 : f32
    %add3A_1382 = vector.broadcast %add3A_1381 : f32 to vector<200x128xf32>
    %add3A_1383 = arith.addf %sub3A_1380, %add3A_1382 : vector<200x128xf32>
    %div3A_1384 = arith.divf %mul3A_1377, %add3A_1383 : vector<200x128xf32>
    %gt3A_1385 = arith.cmpf ogt, %div3A_1384, %select_n3A_1322 : vector<200x128xf32>
    %select_n3A_1386 = arith.select %gt3A_1385, %div3A_1384, %select_n3A_1322 : vector<200x128xi1>, vector<200x128xf32>
    %broadcast_in_dim3A_1387 = vector.broadcast %get3A_1336 : f32 to vector<200x128xf32>
    %select_n3A_1388 = arith.select %gt3A_1385, %broadcast_in_dim3A_1387, %select_n3A_1324 : vector<200x128xi1>, vector<200x128xf32>
    %broadcast_in_dim3A_1389 = vector.broadcast %get3A_1340 : f32 to vector<200x128xf32>
    %select_n3A_1390 = arith.select %gt3A_1385, %broadcast_in_dim3A_1389, %select_n3A_1326 : vector<200x128xi1>, vector<200x128xf32>
    %broadcast_in_dim3A_1391 = vector.broadcast %get3A_1344 : f32 to vector<200x128xf32>
    %select_n3A_1392 = arith.select %gt3A_1385, %broadcast_in_dim3A_1391, %select_n3A_1328 : vector<200x128xi1>, vector<200x128xf32>
    %broadcast_in_dim3A_1393 = vector.broadcast %get3A_1348 : f32 to vector<200x128xf32>
    %select_n3A_1394 = arith.select %gt3A_1385, %broadcast_in_dim3A_1393, %select_n3A_1330 : vector<200x128xi1>, vector<200x128xf32>
    %broadcast_in_dim3A_1395 = vector.broadcast %convert_element_type3A_1353 : f32 to vector<200x128xf32>
    %select_n3A_1396 = arith.select %gt3A_1385, %broadcast_in_dim3A_1395, %select_n3A_1332 : vector<200x128xi1>, vector<200x128xf32>
    %get3A_1397 = arith.constant 0 : index
    %get3A_1398 = arith.constant 21 : index
    %get3A_1399 = arith.constant 0 : index
    %get3A_1400 = memref.load %arg3[%get3A_1397, %get3A_1398, %get3A_1399] : memref<1x32x4xf32, #tpu.memory_space<smem>>
    %get3A_1401 = arith.constant 0 : index
    %get3A_1402 = arith.constant 21 : index
    %get3A_1403 = arith.constant 1 : index
    %get3A_1404 = memref.load %arg3[%get3A_1401, %get3A_1402, %get3A_1403] : memref<1x32x4xf32, #tpu.memory_space<smem>>
    %get3A_1405 = arith.constant 0 : index
    %get3A_1406 = arith.constant 21 : index
    %get3A_1407 = arith.constant 2 : index
    %get3A_1408 = memref.load %arg3[%get3A_1405, %get3A_1406, %get3A_1407] : memref<1x32x4xf32, #tpu.memory_space<smem>>
    %get3A_1409 = arith.constant 0 : index
    %get3A_1410 = arith.constant 21 : index
    %get3A_1411 = arith.constant 3 : index
    %get3A_1412 = memref.load %arg3[%get3A_1409, %get3A_1410, %get3A_1411] : memref<1x32x4xf32, #tpu.memory_space<smem>>
    %get3A_1413 = arith.constant 0 : index
    %get3A_1414 = arith.constant 0 : index
    %get3A_1415 = arith.constant 21 : index
    %get3A_1416 = memref.load %arg4[%get3A_1413, %get3A_1414, %get3A_1415] : memref<1x1x32xi32, #tpu.memory_space<smem>>
    %convert_element_type3A_1417 = arith.sitofp %get3A_1416 : i32 to f32
    %sub3A_1418 = arith.subf %get3A_1408, %get3A_1400 : f32
    %max3A_1419 = arith.constant 0.000000e+00 : f32
    %max3A_1420 = arith.maximumf %sub3A_1418, %max3A_1419 : f32
    %sub3A_1421 = arith.subf %get3A_1412, %get3A_1404 : f32
    %max3A_1422 = arith.constant 0.000000e+00 : f32
    %max3A_1423 = arith.maximumf %sub3A_1421, %max3A_1422 : f32
    %mul3A_1424 = arith.mulf %max3A_1420, %max3A_1423 : f32
    %min3A_1425 = vector.broadcast %get3A_1408 : f32 to vector<200x128xf32>
    %min3A_1426 = arith.minimumf %add3A, %min3A_1425 : vector<200x128xf32>
    %max3A_1427 = vector.broadcast %get3A_1400 : f32 to vector<200x128xf32>
    %max3A_1428 = arith.maximumf %sub3A, %max3A_1427 : vector<200x128xf32>
    %sub3A_1429 = arith.subf %min3A_1426, %max3A_1428 : vector<200x128xf32>
    %min3A_1430 = vector.broadcast %get3A_1412 : f32 to vector<200x128xf32>
    %min3A_1431 = arith.minimumf %add3A_31, %min3A_1430 : vector<200x128xf32>
    %max3A_1432 = vector.broadcast %get3A_1404 : f32 to vector<200x128xf32>
    %max3A_1433 = arith.maximumf %sub3A_24, %max3A_1432 : vector<200x128xf32>
    %sub3A_1434 = arith.subf %min3A_1431, %max3A_1433 : vector<200x128xf32>
    %max3A_1435 = arith.constant 0.000000e+00 : f32
    %max3A_1436 = vector.broadcast %max3A_1435 : f32 to vector<200x128xf32>
    %max3A_1437 = arith.maximumf %sub3A_1429, %max3A_1436 : vector<200x128xf32>
    %max3A_1438 = arith.constant 0.000000e+00 : f32
    %max3A_1439 = vector.broadcast %max3A_1438 : f32 to vector<200x128xf32>
    %max3A_1440 = arith.maximumf %sub3A_1434, %max3A_1439 : vector<200x128xf32>
    %mul3A_1441 = arith.mulf %max3A_1437, %max3A_1440 : vector<200x128xf32>
    %add3A_1442 = vector.broadcast %mul3A_1424 : f32 to vector<200x128xf32>
    %add3A_1443 = arith.addf %mul3A_39, %add3A_1442 : vector<200x128xf32>
    %sub3A_1444 = arith.subf %add3A_1443, %mul3A_1441 : vector<200x128xf32>
    %add3A_1445 = arith.constant 9.99999971E-10 : f32
    %add3A_1446 = vector.broadcast %add3A_1445 : f32 to vector<200x128xf32>
    %add3A_1447 = arith.addf %sub3A_1444, %add3A_1446 : vector<200x128xf32>
    %div3A_1448 = arith.divf %mul3A_1441, %add3A_1447 : vector<200x128xf32>
    %gt3A_1449 = arith.cmpf ogt, %div3A_1448, %select_n3A_1386 : vector<200x128xf32>
    %select_n3A_1450 = arith.select %gt3A_1449, %div3A_1448, %select_n3A_1386 : vector<200x128xi1>, vector<200x128xf32>
    %broadcast_in_dim3A_1451 = vector.broadcast %get3A_1400 : f32 to vector<200x128xf32>
    %select_n3A_1452 = arith.select %gt3A_1449, %broadcast_in_dim3A_1451, %select_n3A_1388 : vector<200x128xi1>, vector<200x128xf32>
    %broadcast_in_dim3A_1453 = vector.broadcast %get3A_1404 : f32 to vector<200x128xf32>
    %select_n3A_1454 = arith.select %gt3A_1449, %broadcast_in_dim3A_1453, %select_n3A_1390 : vector<200x128xi1>, vector<200x128xf32>
    %broadcast_in_dim3A_1455 = vector.broadcast %get3A_1408 : f32 to vector<200x128xf32>
    %select_n3A_1456 = arith.select %gt3A_1449, %broadcast_in_dim3A_1455, %select_n3A_1392 : vector<200x128xi1>, vector<200x128xf32>
    %broadcast_in_dim3A_1457 = vector.broadcast %get3A_1412 : f32 to vector<200x128xf32>
    %select_n3A_1458 = arith.select %gt3A_1449, %broadcast_in_dim3A_1457, %select_n3A_1394 : vector<200x128xi1>, vector<200x128xf32>
    %broadcast_in_dim3A_1459 = vector.broadcast %convert_element_type3A_1417 : f32 to vector<200x128xf32>
    %select_n3A_1460 = arith.select %gt3A_1449, %broadcast_in_dim3A_1459, %select_n3A_1396 : vector<200x128xi1>, vector<200x128xf32>
    %get3A_1461 = arith.constant 0 : index
    %get3A_1462 = arith.constant 22 : index
    %get3A_1463 = arith.constant 0 : index
    %get3A_1464 = memref.load %arg3[%get3A_1461, %get3A_1462, %get3A_1463] : memref<1x32x4xf32, #tpu.memory_space<smem>>
    %get3A_1465 = arith.constant 0 : index
    %get3A_1466 = arith.constant 22 : index
    %get3A_1467 = arith.constant 1 : index
    %get3A_1468 = memref.load %arg3[%get3A_1465, %get3A_1466, %get3A_1467] : memref<1x32x4xf32, #tpu.memory_space<smem>>
    %get3A_1469 = arith.constant 0 : index
    %get3A_1470 = arith.constant 22 : index
    %get3A_1471 = arith.constant 2 : index
    %get3A_1472 = memref.load %arg3[%get3A_1469, %get3A_1470, %get3A_1471] : memref<1x32x4xf32, #tpu.memory_space<smem>>
    %get3A_1473 = arith.constant 0 : index
    %get3A_1474 = arith.constant 22 : index
    %get3A_1475 = arith.constant 3 : index
    %get3A_1476 = memref.load %arg3[%get3A_1473, %get3A_1474, %get3A_1475] : memref<1x32x4xf32, #tpu.memory_space<smem>>
    %get3A_1477 = arith.constant 0 : index
    %get3A_1478 = arith.constant 0 : index
    %get3A_1479 = arith.constant 22 : index
    %get3A_1480 = memref.load %arg4[%get3A_1477, %get3A_1478, %get3A_1479] : memref<1x1x32xi32, #tpu.memory_space<smem>>
    %convert_element_type3A_1481 = arith.sitofp %get3A_1480 : i32 to f32
    %sub3A_1482 = arith.subf %get3A_1472, %get3A_1464 : f32
    %max3A_1483 = arith.constant 0.000000e+00 : f32
    %max3A_1484 = arith.maximumf %sub3A_1482, %max3A_1483 : f32
    %sub3A_1485 = arith.subf %get3A_1476, %get3A_1468 : f32
    %max3A_1486 = arith.constant 0.000000e+00 : f32
    %max3A_1487 = arith.maximumf %sub3A_1485, %max3A_1486 : f32
    %mul3A_1488 = arith.mulf %max3A_1484, %max3A_1487 : f32
    %min3A_1489 = vector.broadcast %get3A_1472 : f32 to vector<200x128xf32>
    %min3A_1490 = arith.minimumf %add3A, %min3A_1489 : vector<200x128xf32>
    %max3A_1491 = vector.broadcast %get3A_1464 : f32 to vector<200x128xf32>
    %max3A_1492 = arith.maximumf %sub3A, %max3A_1491 : vector<200x128xf32>
    %sub3A_1493 = arith.subf %min3A_1490, %max3A_1492 : vector<200x128xf32>
    %min3A_1494 = vector.broadcast %get3A_1476 : f32 to vector<200x128xf32>
    %min3A_1495 = arith.minimumf %add3A_31, %min3A_1494 : vector<200x128xf32>
    %max3A_1496 = vector.broadcast %get3A_1468 : f32 to vector<200x128xf32>
    %max3A_1497 = arith.maximumf %sub3A_24, %max3A_1496 : vector<200x128xf32>
    %sub3A_1498 = arith.subf %min3A_1495, %max3A_1497 : vector<200x128xf32>
    %max3A_1499 = arith.constant 0.000000e+00 : f32
    %max3A_1500 = vector.broadcast %max3A_1499 : f32 to vector<200x128xf32>
    %max3A_1501 = arith.maximumf %sub3A_1493, %max3A_1500 : vector<200x128xf32>
    %max3A_1502 = arith.constant 0.000000e+00 : f32
    %max3A_1503 = vector.broadcast %max3A_1502 : f32 to vector<200x128xf32>
    %max3A_1504 = arith.maximumf %sub3A_1498, %max3A_1503 : vector<200x128xf32>
    %mul3A_1505 = arith.mulf %max3A_1501, %max3A_1504 : vector<200x128xf32>
    %add3A_1506 = vector.broadcast %mul3A_1488 : f32 to vector<200x128xf32>
    %add3A_1507 = arith.addf %mul3A_39, %add3A_1506 : vector<200x128xf32>
    %sub3A_1508 = arith.subf %add3A_1507, %mul3A_1505 : vector<200x128xf32>
    %add3A_1509 = arith.constant 9.99999971E-10 : f32
    %add3A_1510 = vector.broadcast %add3A_1509 : f32 to vector<200x128xf32>
    %add3A_1511 = arith.addf %sub3A_1508, %add3A_1510 : vector<200x128xf32>
    %div3A_1512 = arith.divf %mul3A_1505, %add3A_1511 : vector<200x128xf32>
    %gt3A_1513 = arith.cmpf ogt, %div3A_1512, %select_n3A_1450 : vector<200x128xf32>
    %select_n3A_1514 = arith.select %gt3A_1513, %div3A_1512, %select_n3A_1450 : vector<200x128xi1>, vector<200x128xf32>
    %broadcast_in_dim3A_1515 = vector.broadcast %get3A_1464 : f32 to vector<200x128xf32>
    %select_n3A_1516 = arith.select %gt3A_1513, %broadcast_in_dim3A_1515, %select_n3A_1452 : vector<200x128xi1>, vector<200x128xf32>
    %broadcast_in_dim3A_1517 = vector.broadcast %get3A_1468 : f32 to vector<200x128xf32>
    %select_n3A_1518 = arith.select %gt3A_1513, %broadcast_in_dim3A_1517, %select_n3A_1454 : vector<200x128xi1>, vector<200x128xf32>
    %broadcast_in_dim3A_1519 = vector.broadcast %get3A_1472 : f32 to vector<200x128xf32>
    %select_n3A_1520 = arith.select %gt3A_1513, %broadcast_in_dim3A_1519, %select_n3A_1456 : vector<200x128xi1>, vector<200x128xf32>
    %broadcast_in_dim3A_1521 = vector.broadcast %get3A_1476 : f32 to vector<200x128xf32>
    %select_n3A_1522 = arith.select %gt3A_1513, %broadcast_in_dim3A_1521, %select_n3A_1458 : vector<200x128xi1>, vector<200x128xf32>
    %broadcast_in_dim3A_1523 = vector.broadcast %convert_element_type3A_1481 : f32 to vector<200x128xf32>
    %select_n3A_1524 = arith.select %gt3A_1513, %broadcast_in_dim3A_1523, %select_n3A_1460 : vector<200x128xi1>, vector<200x128xf32>
    %get3A_1525 = arith.constant 0 : index
    %get3A_1526 = arith.constant 23 : index
    %get3A_1527 = arith.constant 0 : index
    %get3A_1528 = memref.load %arg3[%get3A_1525, %get3A_1526, %get3A_1527] : memref<1x32x4xf32, #tpu.memory_space<smem>>
    %get3A_1529 = arith.constant 0 : index
    %get3A_1530 = arith.constant 23 : index
    %get3A_1531 = arith.constant 1 : index
    %get3A_1532 = memref.load %arg3[%get3A_1529, %get3A_1530, %get3A_1531] : memref<1x32x4xf32, #tpu.memory_space<smem>>
    %get3A_1533 = arith.constant 0 : index
    %get3A_1534 = arith.constant 23 : index
    %get3A_1535 = arith.constant 2 : index
    %get3A_1536 = memref.load %arg3[%get3A_1533, %get3A_1534, %get3A_1535] : memref<1x32x4xf32, #tpu.memory_space<smem>>
    %get3A_1537 = arith.constant 0 : index
    %get3A_1538 = arith.constant 23 : index
    %get3A_1539 = arith.constant 3 : index
    %get3A_1540 = memref.load %arg3[%get3A_1537, %get3A_1538, %get3A_1539] : memref<1x32x4xf32, #tpu.memory_space<smem>>
    %get3A_1541 = arith.constant 0 : index
    %get3A_1542 = arith.constant 0 : index
    %get3A_1543 = arith.constant 23 : index
    %get3A_1544 = memref.load %arg4[%get3A_1541, %get3A_1542, %get3A_1543] : memref<1x1x32xi32, #tpu.memory_space<smem>>
    %convert_element_type3A_1545 = arith.sitofp %get3A_1544 : i32 to f32
    %sub3A_1546 = arith.subf %get3A_1536, %get3A_1528 : f32
    %max3A_1547 = arith.constant 0.000000e+00 : f32
    %max3A_1548 = arith.maximumf %sub3A_1546, %max3A_1547 : f32
    %sub3A_1549 = arith.subf %get3A_1540, %get3A_1532 : f32
    %max3A_1550 = arith.constant 0.000000e+00 : f32
    %max3A_1551 = arith.maximumf %sub3A_1549, %max3A_1550 : f32
    %mul3A_1552 = arith.mulf %max3A_1548, %max3A_1551 : f32
    %min3A_1553 = vector.broadcast %get3A_1536 : f32 to vector<200x128xf32>
    %min3A_1554 = arith.minimumf %add3A, %min3A_1553 : vector<200x128xf32>
    %max3A_1555 = vector.broadcast %get3A_1528 : f32 to vector<200x128xf32>
    %max3A_1556 = arith.maximumf %sub3A, %max3A_1555 : vector<200x128xf32>
    %sub3A_1557 = arith.subf %min3A_1554, %max3A_1556 : vector<200x128xf32>
    %min3A_1558 = vector.broadcast %get3A_1540 : f32 to vector<200x128xf32>
    %min3A_1559 = arith.minimumf %add3A_31, %min3A_1558 : vector<200x128xf32>
    %max3A_1560 = vector.broadcast %get3A_1532 : f32 to vector<200x128xf32>
    %max3A_1561 = arith.maximumf %sub3A_24, %max3A_1560 : vector<200x128xf32>
    %sub3A_1562 = arith.subf %min3A_1559, %max3A_1561 : vector<200x128xf32>
    %max3A_1563 = arith.constant 0.000000e+00 : f32
    %max3A_1564 = vector.broadcast %max3A_1563 : f32 to vector<200x128xf32>
    %max3A_1565 = arith.maximumf %sub3A_1557, %max3A_1564 : vector<200x128xf32>
    %max3A_1566 = arith.constant 0.000000e+00 : f32
    %max3A_1567 = vector.broadcast %max3A_1566 : f32 to vector<200x128xf32>
    %max3A_1568 = arith.maximumf %sub3A_1562, %max3A_1567 : vector<200x128xf32>
    %mul3A_1569 = arith.mulf %max3A_1565, %max3A_1568 : vector<200x128xf32>
    %add3A_1570 = vector.broadcast %mul3A_1552 : f32 to vector<200x128xf32>
    %add3A_1571 = arith.addf %mul3A_39, %add3A_1570 : vector<200x128xf32>
    %sub3A_1572 = arith.subf %add3A_1571, %mul3A_1569 : vector<200x128xf32>
    %add3A_1573 = arith.constant 9.99999971E-10 : f32
    %add3A_1574 = vector.broadcast %add3A_1573 : f32 to vector<200x128xf32>
    %add3A_1575 = arith.addf %sub3A_1572, %add3A_1574 : vector<200x128xf32>
    %div3A_1576 = arith.divf %mul3A_1569, %add3A_1575 : vector<200x128xf32>
    %gt3A_1577 = arith.cmpf ogt, %div3A_1576, %select_n3A_1514 : vector<200x128xf32>
    %select_n3A_1578 = arith.select %gt3A_1577, %div3A_1576, %select_n3A_1514 : vector<200x128xi1>, vector<200x128xf32>
    %broadcast_in_dim3A_1579 = vector.broadcast %get3A_1528 : f32 to vector<200x128xf32>
    %select_n3A_1580 = arith.select %gt3A_1577, %broadcast_in_dim3A_1579, %select_n3A_1516 : vector<200x128xi1>, vector<200x128xf32>
    %broadcast_in_dim3A_1581 = vector.broadcast %get3A_1532 : f32 to vector<200x128xf32>
    %select_n3A_1582 = arith.select %gt3A_1577, %broadcast_in_dim3A_1581, %select_n3A_1518 : vector<200x128xi1>, vector<200x128xf32>
    %broadcast_in_dim3A_1583 = vector.broadcast %get3A_1536 : f32 to vector<200x128xf32>
    %select_n3A_1584 = arith.select %gt3A_1577, %broadcast_in_dim3A_1583, %select_n3A_1520 : vector<200x128xi1>, vector<200x128xf32>
    %broadcast_in_dim3A_1585 = vector.broadcast %get3A_1540 : f32 to vector<200x128xf32>
    %select_n3A_1586 = arith.select %gt3A_1577, %broadcast_in_dim3A_1585, %select_n3A_1522 : vector<200x128xi1>, vector<200x128xf32>
    %broadcast_in_dim3A_1587 = vector.broadcast %convert_element_type3A_1545 : f32 to vector<200x128xf32>
    %select_n3A_1588 = arith.select %gt3A_1577, %broadcast_in_dim3A_1587, %select_n3A_1524 : vector<200x128xi1>, vector<200x128xf32>
    %get3A_1589 = arith.constant 0 : index
    %get3A_1590 = arith.constant 24 : index
    %get3A_1591 = arith.constant 0 : index
    %get3A_1592 = memref.load %arg3[%get3A_1589, %get3A_1590, %get3A_1591] : memref<1x32x4xf32, #tpu.memory_space<smem>>
    %get3A_1593 = arith.constant 0 : index
    %get3A_1594 = arith.constant 24 : index
    %get3A_1595 = arith.constant 1 : index
    %get3A_1596 = memref.load %arg3[%get3A_1593, %get3A_1594, %get3A_1595] : memref<1x32x4xf32, #tpu.memory_space<smem>>
    %get3A_1597 = arith.constant 0 : index
    %get3A_1598 = arith.constant 24 : index
    %get3A_1599 = arith.constant 2 : index
    %get3A_1600 = memref.load %arg3[%get3A_1597, %get3A_1598, %get3A_1599] : memref<1x32x4xf32, #tpu.memory_space<smem>>
    %get3A_1601 = arith.constant 0 : index
    %get3A_1602 = arith.constant 24 : index
    %get3A_1603 = arith.constant 3 : index
    %get3A_1604 = memref.load %arg3[%get3A_1601, %get3A_1602, %get3A_1603] : memref<1x32x4xf32, #tpu.memory_space<smem>>
    %get3A_1605 = arith.constant 0 : index
    %get3A_1606 = arith.constant 0 : index
    %get3A_1607 = arith.constant 24 : index
    %get3A_1608 = memref.load %arg4[%get3A_1605, %get3A_1606, %get3A_1607] : memref<1x1x32xi32, #tpu.memory_space<smem>>
    %convert_element_type3A_1609 = arith.sitofp %get3A_1608 : i32 to f32
    %sub3A_1610 = arith.subf %get3A_1600, %get3A_1592 : f32
    %max3A_1611 = arith.constant 0.000000e+00 : f32
    %max3A_1612 = arith.maximumf %sub3A_1610, %max3A_1611 : f32
    %sub3A_1613 = arith.subf %get3A_1604, %get3A_1596 : f32
    %max3A_1614 = arith.constant 0.000000e+00 : f32
    %max3A_1615 = arith.maximumf %sub3A_1613, %max3A_1614 : f32
    %mul3A_1616 = arith.mulf %max3A_1612, %max3A_1615 : f32
    %min3A_1617 = vector.broadcast %get3A_1600 : f32 to vector<200x128xf32>
    %min3A_1618 = arith.minimumf %add3A, %min3A_1617 : vector<200x128xf32>
    %max3A_1619 = vector.broadcast %get3A_1592 : f32 to vector<200x128xf32>
    %max3A_1620 = arith.maximumf %sub3A, %max3A_1619 : vector<200x128xf32>
    %sub3A_1621 = arith.subf %min3A_1618, %max3A_1620 : vector<200x128xf32>
    %min3A_1622 = vector.broadcast %get3A_1604 : f32 to vector<200x128xf32>
    %min3A_1623 = arith.minimumf %add3A_31, %min3A_1622 : vector<200x128xf32>
    %max3A_1624 = vector.broadcast %get3A_1596 : f32 to vector<200x128xf32>
    %max3A_1625 = arith.maximumf %sub3A_24, %max3A_1624 : vector<200x128xf32>
    %sub3A_1626 = arith.subf %min3A_1623, %max3A_1625 : vector<200x128xf32>
    %max3A_1627 = arith.constant 0.000000e+00 : f32
    %max3A_1628 = vector.broadcast %max3A_1627 : f32 to vector<200x128xf32>
    %max3A_1629 = arith.maximumf %sub3A_1621, %max3A_1628 : vector<200x128xf32>
    %max3A_1630 = arith.constant 0.000000e+00 : f32
    %max3A_1631 = vector.broadcast %max3A_1630 : f32 to vector<200x128xf32>
    %max3A_1632 = arith.maximumf %sub3A_1626, %max3A_1631 : vector<200x128xf32>
    %mul3A_1633 = arith.mulf %max3A_1629, %max3A_1632 : vector<200x128xf32>
    %add3A_1634 = vector.broadcast %mul3A_1616 : f32 to vector<200x128xf32>
    %add3A_1635 = arith.addf %mul3A_39, %add3A_1634 : vector<200x128xf32>
    %sub3A_1636 = arith.subf %add3A_1635, %mul3A_1633 : vector<200x128xf32>
    %add3A_1637 = arith.constant 9.99999971E-10 : f32
    %add3A_1638 = vector.broadcast %add3A_1637 : f32 to vector<200x128xf32>
    %add3A_1639 = arith.addf %sub3A_1636, %add3A_1638 : vector<200x128xf32>
    %div3A_1640 = arith.divf %mul3A_1633, %add3A_1639 : vector<200x128xf32>
    %gt3A_1641 = arith.cmpf ogt, %div3A_1640, %select_n3A_1578 : vector<200x128xf32>
    %select_n3A_1642 = arith.select %gt3A_1641, %div3A_1640, %select_n3A_1578 : vector<200x128xi1>, vector<200x128xf32>
    %broadcast_in_dim3A_1643 = vector.broadcast %get3A_1592 : f32 to vector<200x128xf32>
    %select_n3A_1644 = arith.select %gt3A_1641, %broadcast_in_dim3A_1643, %select_n3A_1580 : vector<200x128xi1>, vector<200x128xf32>
    %broadcast_in_dim3A_1645 = vector.broadcast %get3A_1596 : f32 to vector<200x128xf32>
    %select_n3A_1646 = arith.select %gt3A_1641, %broadcast_in_dim3A_1645, %select_n3A_1582 : vector<200x128xi1>, vector<200x128xf32>
    %broadcast_in_dim3A_1647 = vector.broadcast %get3A_1600 : f32 to vector<200x128xf32>
    %select_n3A_1648 = arith.select %gt3A_1641, %broadcast_in_dim3A_1647, %select_n3A_1584 : vector<200x128xi1>, vector<200x128xf32>
    %broadcast_in_dim3A_1649 = vector.broadcast %get3A_1604 : f32 to vector<200x128xf32>
    %select_n3A_1650 = arith.select %gt3A_1641, %broadcast_in_dim3A_1649, %select_n3A_1586 : vector<200x128xi1>, vector<200x128xf32>
    %broadcast_in_dim3A_1651 = vector.broadcast %convert_element_type3A_1609 : f32 to vector<200x128xf32>
    %select_n3A_1652 = arith.select %gt3A_1641, %broadcast_in_dim3A_1651, %select_n3A_1588 : vector<200x128xi1>, vector<200x128xf32>
    %get3A_1653 = arith.constant 0 : index
    %get3A_1654 = arith.constant 25 : index
    %get3A_1655 = arith.constant 0 : index
    %get3A_1656 = memref.load %arg3[%get3A_1653, %get3A_1654, %get3A_1655] : memref<1x32x4xf32, #tpu.memory_space<smem>>
    %get3A_1657 = arith.constant 0 : index
    %get3A_1658 = arith.constant 25 : index
    %get3A_1659 = arith.constant 1 : index
    %get3A_1660 = memref.load %arg3[%get3A_1657, %get3A_1658, %get3A_1659] : memref<1x32x4xf32, #tpu.memory_space<smem>>
    %get3A_1661 = arith.constant 0 : index
    %get3A_1662 = arith.constant 25 : index
    %get3A_1663 = arith.constant 2 : index
    %get3A_1664 = memref.load %arg3[%get3A_1661, %get3A_1662, %get3A_1663] : memref<1x32x4xf32, #tpu.memory_space<smem>>
    %get3A_1665 = arith.constant 0 : index
    %get3A_1666 = arith.constant 25 : index
    %get3A_1667 = arith.constant 3 : index
    %get3A_1668 = memref.load %arg3[%get3A_1665, %get3A_1666, %get3A_1667] : memref<1x32x4xf32, #tpu.memory_space<smem>>
    %get3A_1669 = arith.constant 0 : index
    %get3A_1670 = arith.constant 0 : index
    %get3A_1671 = arith.constant 25 : index
    %get3A_1672 = memref.load %arg4[%get3A_1669, %get3A_1670, %get3A_1671] : memref<1x1x32xi32, #tpu.memory_space<smem>>
    %convert_element_type3A_1673 = arith.sitofp %get3A_1672 : i32 to f32
    %sub3A_1674 = arith.subf %get3A_1664, %get3A_1656 : f32
    %max3A_1675 = arith.constant 0.000000e+00 : f32
    %max3A_1676 = arith.maximumf %sub3A_1674, %max3A_1675 : f32
    %sub3A_1677 = arith.subf %get3A_1668, %get3A_1660 : f32
    %max3A_1678 = arith.constant 0.000000e+00 : f32
    %max3A_1679 = arith.maximumf %sub3A_1677, %max3A_1678 : f32
    %mul3A_1680 = arith.mulf %max3A_1676, %max3A_1679 : f32
    %min3A_1681 = vector.broadcast %get3A_1664 : f32 to vector<200x128xf32>
    %min3A_1682 = arith.minimumf %add3A, %min3A_1681 : vector<200x128xf32>
    %max3A_1683 = vector.broadcast %get3A_1656 : f32 to vector<200x128xf32>
    %max3A_1684 = arith.maximumf %sub3A, %max3A_1683 : vector<200x128xf32>
    %sub3A_1685 = arith.subf %min3A_1682, %max3A_1684 : vector<200x128xf32>
    %min3A_1686 = vector.broadcast %get3A_1668 : f32 to vector<200x128xf32>
    %min3A_1687 = arith.minimumf %add3A_31, %min3A_1686 : vector<200x128xf32>
    %max3A_1688 = vector.broadcast %get3A_1660 : f32 to vector<200x128xf32>
    %max3A_1689 = arith.maximumf %sub3A_24, %max3A_1688 : vector<200x128xf32>
    %sub3A_1690 = arith.subf %min3A_1687, %max3A_1689 : vector<200x128xf32>
    %max3A_1691 = arith.constant 0.000000e+00 : f32
    %max3A_1692 = vector.broadcast %max3A_1691 : f32 to vector<200x128xf32>
    %max3A_1693 = arith.maximumf %sub3A_1685, %max3A_1692 : vector<200x128xf32>
    %max3A_1694 = arith.constant 0.000000e+00 : f32
    %max3A_1695 = vector.broadcast %max3A_1694 : f32 to vector<200x128xf32>
    %max3A_1696 = arith.maximumf %sub3A_1690, %max3A_1695 : vector<200x128xf32>
    %mul3A_1697 = arith.mulf %max3A_1693, %max3A_1696 : vector<200x128xf32>
    %add3A_1698 = vector.broadcast %mul3A_1680 : f32 to vector<200x128xf32>
    %add3A_1699 = arith.addf %mul3A_39, %add3A_1698 : vector<200x128xf32>
    %sub3A_1700 = arith.subf %add3A_1699, %mul3A_1697 : vector<200x128xf32>
    %add3A_1701 = arith.constant 9.99999971E-10 : f32
    %add3A_1702 = vector.broadcast %add3A_1701 : f32 to vector<200x128xf32>
    %add3A_1703 = arith.addf %sub3A_1700, %add3A_1702 : vector<200x128xf32>
    %div3A_1704 = arith.divf %mul3A_1697, %add3A_1703 : vector<200x128xf32>
    %gt3A_1705 = arith.cmpf ogt, %div3A_1704, %select_n3A_1642 : vector<200x128xf32>
    %select_n3A_1706 = arith.select %gt3A_1705, %div3A_1704, %select_n3A_1642 : vector<200x128xi1>, vector<200x128xf32>
    %broadcast_in_dim3A_1707 = vector.broadcast %get3A_1656 : f32 to vector<200x128xf32>
    %select_n3A_1708 = arith.select %gt3A_1705, %broadcast_in_dim3A_1707, %select_n3A_1644 : vector<200x128xi1>, vector<200x128xf32>
    %broadcast_in_dim3A_1709 = vector.broadcast %get3A_1660 : f32 to vector<200x128xf32>
    %select_n3A_1710 = arith.select %gt3A_1705, %broadcast_in_dim3A_1709, %select_n3A_1646 : vector<200x128xi1>, vector<200x128xf32>
    %broadcast_in_dim3A_1711 = vector.broadcast %get3A_1664 : f32 to vector<200x128xf32>
    %select_n3A_1712 = arith.select %gt3A_1705, %broadcast_in_dim3A_1711, %select_n3A_1648 : vector<200x128xi1>, vector<200x128xf32>
    %broadcast_in_dim3A_1713 = vector.broadcast %get3A_1668 : f32 to vector<200x128xf32>
    %select_n3A_1714 = arith.select %gt3A_1705, %broadcast_in_dim3A_1713, %select_n3A_1650 : vector<200x128xi1>, vector<200x128xf32>
    %broadcast_in_dim3A_1715 = vector.broadcast %convert_element_type3A_1673 : f32 to vector<200x128xf32>
    %select_n3A_1716 = arith.select %gt3A_1705, %broadcast_in_dim3A_1715, %select_n3A_1652 : vector<200x128xi1>, vector<200x128xf32>
    %get3A_1717 = arith.constant 0 : index
    %get3A_1718 = arith.constant 26 : index
    %get3A_1719 = arith.constant 0 : index
    %get3A_1720 = memref.load %arg3[%get3A_1717, %get3A_1718, %get3A_1719] : memref<1x32x4xf32, #tpu.memory_space<smem>>
    %get3A_1721 = arith.constant 0 : index
    %get3A_1722 = arith.constant 26 : index
    %get3A_1723 = arith.constant 1 : index
    %get3A_1724 = memref.load %arg3[%get3A_1721, %get3A_1722, %get3A_1723] : memref<1x32x4xf32, #tpu.memory_space<smem>>
    %get3A_1725 = arith.constant 0 : index
    %get3A_1726 = arith.constant 26 : index
    %get3A_1727 = arith.constant 2 : index
    %get3A_1728 = memref.load %arg3[%get3A_1725, %get3A_1726, %get3A_1727] : memref<1x32x4xf32, #tpu.memory_space<smem>>
    %get3A_1729 = arith.constant 0 : index
    %get3A_1730 = arith.constant 26 : index
    %get3A_1731 = arith.constant 3 : index
    %get3A_1732 = memref.load %arg3[%get3A_1729, %get3A_1730, %get3A_1731] : memref<1x32x4xf32, #tpu.memory_space<smem>>
    %get3A_1733 = arith.constant 0 : index
    %get3A_1734 = arith.constant 0 : index
    %get3A_1735 = arith.constant 26 : index
    %get3A_1736 = memref.load %arg4[%get3A_1733, %get3A_1734, %get3A_1735] : memref<1x1x32xi32, #tpu.memory_space<smem>>
    %convert_element_type3A_1737 = arith.sitofp %get3A_1736 : i32 to f32
    %sub3A_1738 = arith.subf %get3A_1728, %get3A_1720 : f32
    %max3A_1739 = arith.constant 0.000000e+00 : f32
    %max3A_1740 = arith.maximumf %sub3A_1738, %max3A_1739 : f32
    %sub3A_1741 = arith.subf %get3A_1732, %get3A_1724 : f32
    %max3A_1742 = arith.constant 0.000000e+00 : f32
    %max3A_1743 = arith.maximumf %sub3A_1741, %max3A_1742 : f32
    %mul3A_1744 = arith.mulf %max3A_1740, %max3A_1743 : f32
    %min3A_1745 = vector.broadcast %get3A_1728 : f32 to vector<200x128xf32>
    %min3A_1746 = arith.minimumf %add3A, %min3A_1745 : vector<200x128xf32>
    %max3A_1747 = vector.broadcast %get3A_1720 : f32 to vector<200x128xf32>
    %max3A_1748 = arith.maximumf %sub3A, %max3A_1747 : vector<200x128xf32>
    %sub3A_1749 = arith.subf %min3A_1746, %max3A_1748 : vector<200x128xf32>
    %min3A_1750 = vector.broadcast %get3A_1732 : f32 to vector<200x128xf32>
    %min3A_1751 = arith.minimumf %add3A_31, %min3A_1750 : vector<200x128xf32>
    %max3A_1752 = vector.broadcast %get3A_1724 : f32 to vector<200x128xf32>
    %max3A_1753 = arith.maximumf %sub3A_24, %max3A_1752 : vector<200x128xf32>
    %sub3A_1754 = arith.subf %min3A_1751, %max3A_1753 : vector<200x128xf32>
    %max3A_1755 = arith.constant 0.000000e+00 : f32
    %max3A_1756 = vector.broadcast %max3A_1755 : f32 to vector<200x128xf32>
    %max3A_1757 = arith.maximumf %sub3A_1749, %max3A_1756 : vector<200x128xf32>
    %max3A_1758 = arith.constant 0.000000e+00 : f32
    %max3A_1759 = vector.broadcast %max3A_1758 : f32 to vector<200x128xf32>
    %max3A_1760 = arith.maximumf %sub3A_1754, %max3A_1759 : vector<200x128xf32>
    %mul3A_1761 = arith.mulf %max3A_1757, %max3A_1760 : vector<200x128xf32>
    %add3A_1762 = vector.broadcast %mul3A_1744 : f32 to vector<200x128xf32>
    %add3A_1763 = arith.addf %mul3A_39, %add3A_1762 : vector<200x128xf32>
    %sub3A_1764 = arith.subf %add3A_1763, %mul3A_1761 : vector<200x128xf32>
    %add3A_1765 = arith.constant 9.99999971E-10 : f32
    %add3A_1766 = vector.broadcast %add3A_1765 : f32 to vector<200x128xf32>
    %add3A_1767 = arith.addf %sub3A_1764, %add3A_1766 : vector<200x128xf32>
    %div3A_1768 = arith.divf %mul3A_1761, %add3A_1767 : vector<200x128xf32>
    %gt3A_1769 = arith.cmpf ogt, %div3A_1768, %select_n3A_1706 : vector<200x128xf32>
    %select_n3A_1770 = arith.select %gt3A_1769, %div3A_1768, %select_n3A_1706 : vector<200x128xi1>, vector<200x128xf32>
    %broadcast_in_dim3A_1771 = vector.broadcast %get3A_1720 : f32 to vector<200x128xf32>
    %select_n3A_1772 = arith.select %gt3A_1769, %broadcast_in_dim3A_1771, %select_n3A_1708 : vector<200x128xi1>, vector<200x128xf32>
    %broadcast_in_dim3A_1773 = vector.broadcast %get3A_1724 : f32 to vector<200x128xf32>
    %select_n3A_1774 = arith.select %gt3A_1769, %broadcast_in_dim3A_1773, %select_n3A_1710 : vector<200x128xi1>, vector<200x128xf32>
    %broadcast_in_dim3A_1775 = vector.broadcast %get3A_1728 : f32 to vector<200x128xf32>
    %select_n3A_1776 = arith.select %gt3A_1769, %broadcast_in_dim3A_1775, %select_n3A_1712 : vector<200x128xi1>, vector<200x128xf32>
    %broadcast_in_dim3A_1777 = vector.broadcast %get3A_1732 : f32 to vector<200x128xf32>
    %select_n3A_1778 = arith.select %gt3A_1769, %broadcast_in_dim3A_1777, %select_n3A_1714 : vector<200x128xi1>, vector<200x128xf32>
    %broadcast_in_dim3A_1779 = vector.broadcast %convert_element_type3A_1737 : f32 to vector<200x128xf32>
    %select_n3A_1780 = arith.select %gt3A_1769, %broadcast_in_dim3A_1779, %select_n3A_1716 : vector<200x128xi1>, vector<200x128xf32>
    %get3A_1781 = arith.constant 0 : index
    %get3A_1782 = arith.constant 27 : index
    %get3A_1783 = arith.constant 0 : index
    %get3A_1784 = memref.load %arg3[%get3A_1781, %get3A_1782, %get3A_1783] : memref<1x32x4xf32, #tpu.memory_space<smem>>
    %get3A_1785 = arith.constant 0 : index
    %get3A_1786 = arith.constant 27 : index
    %get3A_1787 = arith.constant 1 : index
    %get3A_1788 = memref.load %arg3[%get3A_1785, %get3A_1786, %get3A_1787] : memref<1x32x4xf32, #tpu.memory_space<smem>>
    %get3A_1789 = arith.constant 0 : index
    %get3A_1790 = arith.constant 27 : index
    %get3A_1791 = arith.constant 2 : index
    %get3A_1792 = memref.load %arg3[%get3A_1789, %get3A_1790, %get3A_1791] : memref<1x32x4xf32, #tpu.memory_space<smem>>
    %get3A_1793 = arith.constant 0 : index
    %get3A_1794 = arith.constant 27 : index
    %get3A_1795 = arith.constant 3 : index
    %get3A_1796 = memref.load %arg3[%get3A_1793, %get3A_1794, %get3A_1795] : memref<1x32x4xf32, #tpu.memory_space<smem>>
    %get3A_1797 = arith.constant 0 : index
    %get3A_1798 = arith.constant 0 : index
    %get3A_1799 = arith.constant 27 : index
    %get3A_1800 = memref.load %arg4[%get3A_1797, %get3A_1798, %get3A_1799] : memref<1x1x32xi32, #tpu.memory_space<smem>>
    %convert_element_type3A_1801 = arith.sitofp %get3A_1800 : i32 to f32
    %sub3A_1802 = arith.subf %get3A_1792, %get3A_1784 : f32
    %max3A_1803 = arith.constant 0.000000e+00 : f32
    %max3A_1804 = arith.maximumf %sub3A_1802, %max3A_1803 : f32
    %sub3A_1805 = arith.subf %get3A_1796, %get3A_1788 : f32
    %max3A_1806 = arith.constant 0.000000e+00 : f32
    %max3A_1807 = arith.maximumf %sub3A_1805, %max3A_1806 : f32
    %mul3A_1808 = arith.mulf %max3A_1804, %max3A_1807 : f32
    %min3A_1809 = vector.broadcast %get3A_1792 : f32 to vector<200x128xf32>
    %min3A_1810 = arith.minimumf %add3A, %min3A_1809 : vector<200x128xf32>
    %max3A_1811 = vector.broadcast %get3A_1784 : f32 to vector<200x128xf32>
    %max3A_1812 = arith.maximumf %sub3A, %max3A_1811 : vector<200x128xf32>
    %sub3A_1813 = arith.subf %min3A_1810, %max3A_1812 : vector<200x128xf32>
    %min3A_1814 = vector.broadcast %get3A_1796 : f32 to vector<200x128xf32>
    %min3A_1815 = arith.minimumf %add3A_31, %min3A_1814 : vector<200x128xf32>
    %max3A_1816 = vector.broadcast %get3A_1788 : f32 to vector<200x128xf32>
    %max3A_1817 = arith.maximumf %sub3A_24, %max3A_1816 : vector<200x128xf32>
    %sub3A_1818 = arith.subf %min3A_1815, %max3A_1817 : vector<200x128xf32>
    %max3A_1819 = arith.constant 0.000000e+00 : f32
    %max3A_1820 = vector.broadcast %max3A_1819 : f32 to vector<200x128xf32>
    %max3A_1821 = arith.maximumf %sub3A_1813, %max3A_1820 : vector<200x128xf32>
    %max3A_1822 = arith.constant 0.000000e+00 : f32
    %max3A_1823 = vector.broadcast %max3A_1822 : f32 to vector<200x128xf32>
    %max3A_1824 = arith.maximumf %sub3A_1818, %max3A_1823 : vector<200x128xf32>
    %mul3A_1825 = arith.mulf %max3A_1821, %max3A_1824 : vector<200x128xf32>
    %add3A_1826 = vector.broadcast %mul3A_1808 : f32 to vector<200x128xf32>
    %add3A_1827 = arith.addf %mul3A_39, %add3A_1826 : vector<200x128xf32>
    %sub3A_1828 = arith.subf %add3A_1827, %mul3A_1825 : vector<200x128xf32>
    %add3A_1829 = arith.constant 9.99999971E-10 : f32
    %add3A_1830 = vector.broadcast %add3A_1829 : f32 to vector<200x128xf32>
    %add3A_1831 = arith.addf %sub3A_1828, %add3A_1830 : vector<200x128xf32>
    %div3A_1832 = arith.divf %mul3A_1825, %add3A_1831 : vector<200x128xf32>
    %gt3A_1833 = arith.cmpf ogt, %div3A_1832, %select_n3A_1770 : vector<200x128xf32>
    %select_n3A_1834 = arith.select %gt3A_1833, %div3A_1832, %select_n3A_1770 : vector<200x128xi1>, vector<200x128xf32>
    %broadcast_in_dim3A_1835 = vector.broadcast %get3A_1784 : f32 to vector<200x128xf32>
    %select_n3A_1836 = arith.select %gt3A_1833, %broadcast_in_dim3A_1835, %select_n3A_1772 : vector<200x128xi1>, vector<200x128xf32>
    %broadcast_in_dim3A_1837 = vector.broadcast %get3A_1788 : f32 to vector<200x128xf32>
    %select_n3A_1838 = arith.select %gt3A_1833, %broadcast_in_dim3A_1837, %select_n3A_1774 : vector<200x128xi1>, vector<200x128xf32>
    %broadcast_in_dim3A_1839 = vector.broadcast %get3A_1792 : f32 to vector<200x128xf32>
    %select_n3A_1840 = arith.select %gt3A_1833, %broadcast_in_dim3A_1839, %select_n3A_1776 : vector<200x128xi1>, vector<200x128xf32>
    %broadcast_in_dim3A_1841 = vector.broadcast %get3A_1796 : f32 to vector<200x128xf32>
    %select_n3A_1842 = arith.select %gt3A_1833, %broadcast_in_dim3A_1841, %select_n3A_1778 : vector<200x128xi1>, vector<200x128xf32>
    %broadcast_in_dim3A_1843 = vector.broadcast %convert_element_type3A_1801 : f32 to vector<200x128xf32>
    %select_n3A_1844 = arith.select %gt3A_1833, %broadcast_in_dim3A_1843, %select_n3A_1780 : vector<200x128xi1>, vector<200x128xf32>
    %get3A_1845 = arith.constant 0 : index
    %get3A_1846 = arith.constant 28 : index
    %get3A_1847 = arith.constant 0 : index
    %get3A_1848 = memref.load %arg3[%get3A_1845, %get3A_1846, %get3A_1847] : memref<1x32x4xf32, #tpu.memory_space<smem>>
    %get3A_1849 = arith.constant 0 : index
    %get3A_1850 = arith.constant 28 : index
    %get3A_1851 = arith.constant 1 : index
    %get3A_1852 = memref.load %arg3[%get3A_1849, %get3A_1850, %get3A_1851] : memref<1x32x4xf32, #tpu.memory_space<smem>>
    %get3A_1853 = arith.constant 0 : index
    %get3A_1854 = arith.constant 28 : index
    %get3A_1855 = arith.constant 2 : index
    %get3A_1856 = memref.load %arg3[%get3A_1853, %get3A_1854, %get3A_1855] : memref<1x32x4xf32, #tpu.memory_space<smem>>
    %get3A_1857 = arith.constant 0 : index
    %get3A_1858 = arith.constant 28 : index
    %get3A_1859 = arith.constant 3 : index
    %get3A_1860 = memref.load %arg3[%get3A_1857, %get3A_1858, %get3A_1859] : memref<1x32x4xf32, #tpu.memory_space<smem>>
    %get3A_1861 = arith.constant 0 : index
    %get3A_1862 = arith.constant 0 : index
    %get3A_1863 = arith.constant 28 : index
    %get3A_1864 = memref.load %arg4[%get3A_1861, %get3A_1862, %get3A_1863] : memref<1x1x32xi32, #tpu.memory_space<smem>>
    %convert_element_type3A_1865 = arith.sitofp %get3A_1864 : i32 to f32
    %sub3A_1866 = arith.subf %get3A_1856, %get3A_1848 : f32
    %max3A_1867 = arith.constant 0.000000e+00 : f32
    %max3A_1868 = arith.maximumf %sub3A_1866, %max3A_1867 : f32
    %sub3A_1869 = arith.subf %get3A_1860, %get3A_1852 : f32
    %max3A_1870 = arith.constant 0.000000e+00 : f32
    %max3A_1871 = arith.maximumf %sub3A_1869, %max3A_1870 : f32
    %mul3A_1872 = arith.mulf %max3A_1868, %max3A_1871 : f32
    %min3A_1873 = vector.broadcast %get3A_1856 : f32 to vector<200x128xf32>
    %min3A_1874 = arith.minimumf %add3A, %min3A_1873 : vector<200x128xf32>
    %max3A_1875 = vector.broadcast %get3A_1848 : f32 to vector<200x128xf32>
    %max3A_1876 = arith.maximumf %sub3A, %max3A_1875 : vector<200x128xf32>
    %sub3A_1877 = arith.subf %min3A_1874, %max3A_1876 : vector<200x128xf32>
    %min3A_1878 = vector.broadcast %get3A_1860 : f32 to vector<200x128xf32>
    %min3A_1879 = arith.minimumf %add3A_31, %min3A_1878 : vector<200x128xf32>
    %max3A_1880 = vector.broadcast %get3A_1852 : f32 to vector<200x128xf32>
    %max3A_1881 = arith.maximumf %sub3A_24, %max3A_1880 : vector<200x128xf32>
    %sub3A_1882 = arith.subf %min3A_1879, %max3A_1881 : vector<200x128xf32>
    %max3A_1883 = arith.constant 0.000000e+00 : f32
    %max3A_1884 = vector.broadcast %max3A_1883 : f32 to vector<200x128xf32>
    %max3A_1885 = arith.maximumf %sub3A_1877, %max3A_1884 : vector<200x128xf32>
    %max3A_1886 = arith.constant 0.000000e+00 : f32
    %max3A_1887 = vector.broadcast %max3A_1886 : f32 to vector<200x128xf32>
    %max3A_1888 = arith.maximumf %sub3A_1882, %max3A_1887 : vector<200x128xf32>
    %mul3A_1889 = arith.mulf %max3A_1885, %max3A_1888 : vector<200x128xf32>
    %add3A_1890 = vector.broadcast %mul3A_1872 : f32 to vector<200x128xf32>
    %add3A_1891 = arith.addf %mul3A_39, %add3A_1890 : vector<200x128xf32>
    %sub3A_1892 = arith.subf %add3A_1891, %mul3A_1889 : vector<200x128xf32>
    %add3A_1893 = arith.constant 9.99999971E-10 : f32
    %add3A_1894 = vector.broadcast %add3A_1893 : f32 to vector<200x128xf32>
    %add3A_1895 = arith.addf %sub3A_1892, %add3A_1894 : vector<200x128xf32>
    %div3A_1896 = arith.divf %mul3A_1889, %add3A_1895 : vector<200x128xf32>
    %gt3A_1897 = arith.cmpf ogt, %div3A_1896, %select_n3A_1834 : vector<200x128xf32>
    %select_n3A_1898 = arith.select %gt3A_1897, %div3A_1896, %select_n3A_1834 : vector<200x128xi1>, vector<200x128xf32>
    %broadcast_in_dim3A_1899 = vector.broadcast %get3A_1848 : f32 to vector<200x128xf32>
    %select_n3A_1900 = arith.select %gt3A_1897, %broadcast_in_dim3A_1899, %select_n3A_1836 : vector<200x128xi1>, vector<200x128xf32>
    %broadcast_in_dim3A_1901 = vector.broadcast %get3A_1852 : f32 to vector<200x128xf32>
    %select_n3A_1902 = arith.select %gt3A_1897, %broadcast_in_dim3A_1901, %select_n3A_1838 : vector<200x128xi1>, vector<200x128xf32>
    %broadcast_in_dim3A_1903 = vector.broadcast %get3A_1856 : f32 to vector<200x128xf32>
    %select_n3A_1904 = arith.select %gt3A_1897, %broadcast_in_dim3A_1903, %select_n3A_1840 : vector<200x128xi1>, vector<200x128xf32>
    %broadcast_in_dim3A_1905 = vector.broadcast %get3A_1860 : f32 to vector<200x128xf32>
    %select_n3A_1906 = arith.select %gt3A_1897, %broadcast_in_dim3A_1905, %select_n3A_1842 : vector<200x128xi1>, vector<200x128xf32>
    %broadcast_in_dim3A_1907 = vector.broadcast %convert_element_type3A_1865 : f32 to vector<200x128xf32>
    %select_n3A_1908 = arith.select %gt3A_1897, %broadcast_in_dim3A_1907, %select_n3A_1844 : vector<200x128xi1>, vector<200x128xf32>
    %get3A_1909 = arith.constant 0 : index
    %get3A_1910 = arith.constant 29 : index
    %get3A_1911 = arith.constant 0 : index
    %get3A_1912 = memref.load %arg3[%get3A_1909, %get3A_1910, %get3A_1911] : memref<1x32x4xf32, #tpu.memory_space<smem>>
    %get3A_1913 = arith.constant 0 : index
    %get3A_1914 = arith.constant 29 : index
    %get3A_1915 = arith.constant 1 : index
    %get3A_1916 = memref.load %arg3[%get3A_1913, %get3A_1914, %get3A_1915] : memref<1x32x4xf32, #tpu.memory_space<smem>>
    %get3A_1917 = arith.constant 0 : index
    %get3A_1918 = arith.constant 29 : index
    %get3A_1919 = arith.constant 2 : index
    %get3A_1920 = memref.load %arg3[%get3A_1917, %get3A_1918, %get3A_1919] : memref<1x32x4xf32, #tpu.memory_space<smem>>
    %get3A_1921 = arith.constant 0 : index
    %get3A_1922 = arith.constant 29 : index
    %get3A_1923 = arith.constant 3 : index
    %get3A_1924 = memref.load %arg3[%get3A_1921, %get3A_1922, %get3A_1923] : memref<1x32x4xf32, #tpu.memory_space<smem>>
    %get3A_1925 = arith.constant 0 : index
    %get3A_1926 = arith.constant 0 : index
    %get3A_1927 = arith.constant 29 : index
    %get3A_1928 = memref.load %arg4[%get3A_1925, %get3A_1926, %get3A_1927] : memref<1x1x32xi32, #tpu.memory_space<smem>>
    %convert_element_type3A_1929 = arith.sitofp %get3A_1928 : i32 to f32
    %sub3A_1930 = arith.subf %get3A_1920, %get3A_1912 : f32
    %max3A_1931 = arith.constant 0.000000e+00 : f32
    %max3A_1932 = arith.maximumf %sub3A_1930, %max3A_1931 : f32
    %sub3A_1933 = arith.subf %get3A_1924, %get3A_1916 : f32
    %max3A_1934 = arith.constant 0.000000e+00 : f32
    %max3A_1935 = arith.maximumf %sub3A_1933, %max3A_1934 : f32
    %mul3A_1936 = arith.mulf %max3A_1932, %max3A_1935 : f32
    %min3A_1937 = vector.broadcast %get3A_1920 : f32 to vector<200x128xf32>
    %min3A_1938 = arith.minimumf %add3A, %min3A_1937 : vector<200x128xf32>
    %max3A_1939 = vector.broadcast %get3A_1912 : f32 to vector<200x128xf32>
    %max3A_1940 = arith.maximumf %sub3A, %max3A_1939 : vector<200x128xf32>
    %sub3A_1941 = arith.subf %min3A_1938, %max3A_1940 : vector<200x128xf32>
    %min3A_1942 = vector.broadcast %get3A_1924 : f32 to vector<200x128xf32>
    %min3A_1943 = arith.minimumf %add3A_31, %min3A_1942 : vector<200x128xf32>
    %max3A_1944 = vector.broadcast %get3A_1916 : f32 to vector<200x128xf32>
    %max3A_1945 = arith.maximumf %sub3A_24, %max3A_1944 : vector<200x128xf32>
    %sub3A_1946 = arith.subf %min3A_1943, %max3A_1945 : vector<200x128xf32>
    %max3A_1947 = arith.constant 0.000000e+00 : f32
    %max3A_1948 = vector.broadcast %max3A_1947 : f32 to vector<200x128xf32>
    %max3A_1949 = arith.maximumf %sub3A_1941, %max3A_1948 : vector<200x128xf32>
    %max3A_1950 = arith.constant 0.000000e+00 : f32
    %max3A_1951 = vector.broadcast %max3A_1950 : f32 to vector<200x128xf32>
    %max3A_1952 = arith.maximumf %sub3A_1946, %max3A_1951 : vector<200x128xf32>
    %mul3A_1953 = arith.mulf %max3A_1949, %max3A_1952 : vector<200x128xf32>
    %add3A_1954 = vector.broadcast %mul3A_1936 : f32 to vector<200x128xf32>
    %add3A_1955 = arith.addf %mul3A_39, %add3A_1954 : vector<200x128xf32>
    %sub3A_1956 = arith.subf %add3A_1955, %mul3A_1953 : vector<200x128xf32>
    %add3A_1957 = arith.constant 9.99999971E-10 : f32
    %add3A_1958 = vector.broadcast %add3A_1957 : f32 to vector<200x128xf32>
    %add3A_1959 = arith.addf %sub3A_1956, %add3A_1958 : vector<200x128xf32>
    %div3A_1960 = arith.divf %mul3A_1953, %add3A_1959 : vector<200x128xf32>
    %gt3A_1961 = arith.cmpf ogt, %div3A_1960, %select_n3A_1898 : vector<200x128xf32>
    %select_n3A_1962 = arith.select %gt3A_1961, %div3A_1960, %select_n3A_1898 : vector<200x128xi1>, vector<200x128xf32>
    %broadcast_in_dim3A_1963 = vector.broadcast %get3A_1912 : f32 to vector<200x128xf32>
    %select_n3A_1964 = arith.select %gt3A_1961, %broadcast_in_dim3A_1963, %select_n3A_1900 : vector<200x128xi1>, vector<200x128xf32>
    %broadcast_in_dim3A_1965 = vector.broadcast %get3A_1916 : f32 to vector<200x128xf32>
    %select_n3A_1966 = arith.select %gt3A_1961, %broadcast_in_dim3A_1965, %select_n3A_1902 : vector<200x128xi1>, vector<200x128xf32>
    %broadcast_in_dim3A_1967 = vector.broadcast %get3A_1920 : f32 to vector<200x128xf32>
    %select_n3A_1968 = arith.select %gt3A_1961, %broadcast_in_dim3A_1967, %select_n3A_1904 : vector<200x128xi1>, vector<200x128xf32>
    %broadcast_in_dim3A_1969 = vector.broadcast %get3A_1924 : f32 to vector<200x128xf32>
    %select_n3A_1970 = arith.select %gt3A_1961, %broadcast_in_dim3A_1969, %select_n3A_1906 : vector<200x128xi1>, vector<200x128xf32>
    %broadcast_in_dim3A_1971 = vector.broadcast %convert_element_type3A_1929 : f32 to vector<200x128xf32>
    %select_n3A_1972 = arith.select %gt3A_1961, %broadcast_in_dim3A_1971, %select_n3A_1908 : vector<200x128xi1>, vector<200x128xf32>
    %get3A_1973 = arith.constant 0 : index
    %get3A_1974 = arith.constant 30 : index
    %get3A_1975 = arith.constant 0 : index
    %get3A_1976 = memref.load %arg3[%get3A_1973, %get3A_1974, %get3A_1975] : memref<1x32x4xf32, #tpu.memory_space<smem>>
    %get3A_1977 = arith.constant 0 : index
    %get3A_1978 = arith.constant 30 : index
    %get3A_1979 = arith.constant 1 : index
    %get3A_1980 = memref.load %arg3[%get3A_1977, %get3A_1978, %get3A_1979] : memref<1x32x4xf32, #tpu.memory_space<smem>>
    %get3A_1981 = arith.constant 0 : index
    %get3A_1982 = arith.constant 30 : index
    %get3A_1983 = arith.constant 2 : index
    %get3A_1984 = memref.load %arg3[%get3A_1981, %get3A_1982, %get3A_1983] : memref<1x32x4xf32, #tpu.memory_space<smem>>
    %get3A_1985 = arith.constant 0 : index
    %get3A_1986 = arith.constant 30 : index
    %get3A_1987 = arith.constant 3 : index
    %get3A_1988 = memref.load %arg3[%get3A_1985, %get3A_1986, %get3A_1987] : memref<1x32x4xf32, #tpu.memory_space<smem>>
    %get3A_1989 = arith.constant 0 : index
    %get3A_1990 = arith.constant 0 : index
    %get3A_1991 = arith.constant 30 : index
    %get3A_1992 = memref.load %arg4[%get3A_1989, %get3A_1990, %get3A_1991] : memref<1x1x32xi32, #tpu.memory_space<smem>>
    %convert_element_type3A_1993 = arith.sitofp %get3A_1992 : i32 to f32
    %sub3A_1994 = arith.subf %get3A_1984, %get3A_1976 : f32
    %max3A_1995 = arith.constant 0.000000e+00 : f32
    %max3A_1996 = arith.maximumf %sub3A_1994, %max3A_1995 : f32
    %sub3A_1997 = arith.subf %get3A_1988, %get3A_1980 : f32
    %max3A_1998 = arith.constant 0.000000e+00 : f32
    %max3A_1999 = arith.maximumf %sub3A_1997, %max3A_1998 : f32
    %mul3A_2000 = arith.mulf %max3A_1996, %max3A_1999 : f32
    %min3A_2001 = vector.broadcast %get3A_1984 : f32 to vector<200x128xf32>
    %min3A_2002 = arith.minimumf %add3A, %min3A_2001 : vector<200x128xf32>
    %max3A_2003 = vector.broadcast %get3A_1976 : f32 to vector<200x128xf32>
    %max3A_2004 = arith.maximumf %sub3A, %max3A_2003 : vector<200x128xf32>
    %sub3A_2005 = arith.subf %min3A_2002, %max3A_2004 : vector<200x128xf32>
    %min3A_2006 = vector.broadcast %get3A_1988 : f32 to vector<200x128xf32>
    %min3A_2007 = arith.minimumf %add3A_31, %min3A_2006 : vector<200x128xf32>
    %max3A_2008 = vector.broadcast %get3A_1980 : f32 to vector<200x128xf32>
    %max3A_2009 = arith.maximumf %sub3A_24, %max3A_2008 : vector<200x128xf32>
    %sub3A_2010 = arith.subf %min3A_2007, %max3A_2009 : vector<200x128xf32>
    %max3A_2011 = arith.constant 0.000000e+00 : f32
    %max3A_2012 = vector.broadcast %max3A_2011 : f32 to vector<200x128xf32>
    %max3A_2013 = arith.maximumf %sub3A_2005, %max3A_2012 : vector<200x128xf32>
    %max3A_2014 = arith.constant 0.000000e+00 : f32
    %max3A_2015 = vector.broadcast %max3A_2014 : f32 to vector<200x128xf32>
    %max3A_2016 = arith.maximumf %sub3A_2010, %max3A_2015 : vector<200x128xf32>
    %mul3A_2017 = arith.mulf %max3A_2013, %max3A_2016 : vector<200x128xf32>
    %add3A_2018 = vector.broadcast %mul3A_2000 : f32 to vector<200x128xf32>
    %add3A_2019 = arith.addf %mul3A_39, %add3A_2018 : vector<200x128xf32>
    %sub3A_2020 = arith.subf %add3A_2019, %mul3A_2017 : vector<200x128xf32>
    %add3A_2021 = arith.constant 9.99999971E-10 : f32
    %add3A_2022 = vector.broadcast %add3A_2021 : f32 to vector<200x128xf32>
    %add3A_2023 = arith.addf %sub3A_2020, %add3A_2022 : vector<200x128xf32>
    %div3A_2024 = arith.divf %mul3A_2017, %add3A_2023 : vector<200x128xf32>
    %gt3A_2025 = arith.cmpf ogt, %div3A_2024, %select_n3A_1962 : vector<200x128xf32>
    %select_n3A_2026 = arith.select %gt3A_2025, %div3A_2024, %select_n3A_1962 : vector<200x128xi1>, vector<200x128xf32>
    %broadcast_in_dim3A_2027 = vector.broadcast %get3A_1976 : f32 to vector<200x128xf32>
    %select_n3A_2028 = arith.select %gt3A_2025, %broadcast_in_dim3A_2027, %select_n3A_1964 : vector<200x128xi1>, vector<200x128xf32>
    %broadcast_in_dim3A_2029 = vector.broadcast %get3A_1980 : f32 to vector<200x128xf32>
    %select_n3A_2030 = arith.select %gt3A_2025, %broadcast_in_dim3A_2029, %select_n3A_1966 : vector<200x128xi1>, vector<200x128xf32>
    %broadcast_in_dim3A_2031 = vector.broadcast %get3A_1984 : f32 to vector<200x128xf32>
    %select_n3A_2032 = arith.select %gt3A_2025, %broadcast_in_dim3A_2031, %select_n3A_1968 : vector<200x128xi1>, vector<200x128xf32>
    %broadcast_in_dim3A_2033 = vector.broadcast %get3A_1988 : f32 to vector<200x128xf32>
    %select_n3A_2034 = arith.select %gt3A_2025, %broadcast_in_dim3A_2033, %select_n3A_1970 : vector<200x128xi1>, vector<200x128xf32>
    %broadcast_in_dim3A_2035 = vector.broadcast %convert_element_type3A_1993 : f32 to vector<200x128xf32>
    %select_n3A_2036 = arith.select %gt3A_2025, %broadcast_in_dim3A_2035, %select_n3A_1972 : vector<200x128xi1>, vector<200x128xf32>
    %get3A_2037 = arith.constant 0 : index
    %get3A_2038 = arith.constant 31 : index
    %get3A_2039 = arith.constant 0 : index
    %get3A_2040 = memref.load %arg3[%get3A_2037, %get3A_2038, %get3A_2039] : memref<1x32x4xf32, #tpu.memory_space<smem>>
    %get3A_2041 = arith.constant 0 : index
    %get3A_2042 = arith.constant 31 : index
    %get3A_2043 = arith.constant 1 : index
    %get3A_2044 = memref.load %arg3[%get3A_2041, %get3A_2042, %get3A_2043] : memref<1x32x4xf32, #tpu.memory_space<smem>>
    %get3A_2045 = arith.constant 0 : index
    %get3A_2046 = arith.constant 31 : index
    %get3A_2047 = arith.constant 2 : index
    %get3A_2048 = memref.load %arg3[%get3A_2045, %get3A_2046, %get3A_2047] : memref<1x32x4xf32, #tpu.memory_space<smem>>
    %get3A_2049 = arith.constant 0 : index
    %get3A_2050 = arith.constant 31 : index
    %get3A_2051 = arith.constant 3 : index
    %get3A_2052 = memref.load %arg3[%get3A_2049, %get3A_2050, %get3A_2051] : memref<1x32x4xf32, #tpu.memory_space<smem>>
    %get3A_2053 = arith.constant 0 : index
    %get3A_2054 = arith.constant 0 : index
    %get3A_2055 = arith.constant 31 : index
    %get3A_2056 = memref.load %arg4[%get3A_2053, %get3A_2054, %get3A_2055] : memref<1x1x32xi32, #tpu.memory_space<smem>>
    %convert_element_type3A_2057 = arith.sitofp %get3A_2056 : i32 to f32
    %sub3A_2058 = arith.subf %get3A_2048, %get3A_2040 : f32
    %max3A_2059 = arith.constant 0.000000e+00 : f32
    %max3A_2060 = arith.maximumf %sub3A_2058, %max3A_2059 : f32
    %sub3A_2061 = arith.subf %get3A_2052, %get3A_2044 : f32
    %max3A_2062 = arith.constant 0.000000e+00 : f32
    %max3A_2063 = arith.maximumf %sub3A_2061, %max3A_2062 : f32
    %mul3A_2064 = arith.mulf %max3A_2060, %max3A_2063 : f32
    %min3A_2065 = vector.broadcast %get3A_2048 : f32 to vector<200x128xf32>
    %min3A_2066 = arith.minimumf %add3A, %min3A_2065 : vector<200x128xf32>
    %max3A_2067 = vector.broadcast %get3A_2040 : f32 to vector<200x128xf32>
    %max3A_2068 = arith.maximumf %sub3A, %max3A_2067 : vector<200x128xf32>
    %sub3A_2069 = arith.subf %min3A_2066, %max3A_2068 : vector<200x128xf32>
    %min3A_2070 = vector.broadcast %get3A_2052 : f32 to vector<200x128xf32>
    %min3A_2071 = arith.minimumf %add3A_31, %min3A_2070 : vector<200x128xf32>
    %max3A_2072 = vector.broadcast %get3A_2044 : f32 to vector<200x128xf32>
    %max3A_2073 = arith.maximumf %sub3A_24, %max3A_2072 : vector<200x128xf32>
    %sub3A_2074 = arith.subf %min3A_2071, %max3A_2073 : vector<200x128xf32>
    %max3A_2075 = arith.constant 0.000000e+00 : f32
    %max3A_2076 = vector.broadcast %max3A_2075 : f32 to vector<200x128xf32>
    %max3A_2077 = arith.maximumf %sub3A_2069, %max3A_2076 : vector<200x128xf32>
    %max3A_2078 = arith.constant 0.000000e+00 : f32
    %max3A_2079 = vector.broadcast %max3A_2078 : f32 to vector<200x128xf32>
    %max3A_2080 = arith.maximumf %sub3A_2074, %max3A_2079 : vector<200x128xf32>
    %mul3A_2081 = arith.mulf %max3A_2077, %max3A_2080 : vector<200x128xf32>
    %add3A_2082 = vector.broadcast %mul3A_2064 : f32 to vector<200x128xf32>
    %add3A_2083 = arith.addf %mul3A_39, %add3A_2082 : vector<200x128xf32>
    %sub3A_2084 = arith.subf %add3A_2083, %mul3A_2081 : vector<200x128xf32>
    %add3A_2085 = arith.constant 9.99999971E-10 : f32
    %add3A_2086 = vector.broadcast %add3A_2085 : f32 to vector<200x128xf32>
    %add3A_2087 = arith.addf %sub3A_2084, %add3A_2086 : vector<200x128xf32>
    %div3A_2088 = arith.divf %mul3A_2081, %add3A_2087 : vector<200x128xf32>
    %gt3A_2089 = arith.cmpf ogt, %div3A_2088, %select_n3A_2026 : vector<200x128xf32>
    %select_n3A_2090 = arith.select %gt3A_2089, %div3A_2088, %select_n3A_2026 : vector<200x128xi1>, vector<200x128xf32>
    %broadcast_in_dim3A_2091 = vector.broadcast %get3A_2040 : f32 to vector<200x128xf32>
    %select_n3A_2092 = arith.select %gt3A_2089, %broadcast_in_dim3A_2091, %select_n3A_2028 : vector<200x128xi1>, vector<200x128xf32>
    %broadcast_in_dim3A_2093 = vector.broadcast %get3A_2044 : f32 to vector<200x128xf32>
    %select_n3A_2094 = arith.select %gt3A_2089, %broadcast_in_dim3A_2093, %select_n3A_2030 : vector<200x128xi1>, vector<200x128xf32>
    %broadcast_in_dim3A_2095 = vector.broadcast %get3A_2048 : f32 to vector<200x128xf32>
    %select_n3A_2096 = arith.select %gt3A_2089, %broadcast_in_dim3A_2095, %select_n3A_2032 : vector<200x128xi1>, vector<200x128xf32>
    %broadcast_in_dim3A_2097 = vector.broadcast %get3A_2052 : f32 to vector<200x128xf32>
    %select_n3A_2098 = arith.select %gt3A_2089, %broadcast_in_dim3A_2097, %select_n3A_2034 : vector<200x128xi1>, vector<200x128xf32>
    %broadcast_in_dim3A_2099 = vector.broadcast %convert_element_type3A_2057 : f32 to vector<200x128xf32>
    %select_n3A_2100 = arith.select %gt3A_2089, %broadcast_in_dim3A_2099, %select_n3A_2036 : vector<200x128xi1>, vector<200x128xf32>
    %ge3A = arith.constant 5.000000e-01 : f32
    %ge3A_2101 = vector.broadcast %ge3A : f32 to vector<200x128xf32>
    %ge3A_2102 = arith.cmpf oge, %select_n3A_2090, %ge3A_2101 : vector<200x128xf32>
    %gt3A_2103 = arith.constant 4.000000e-01 : f32
    %gt3A_2104 = vector.broadcast %gt3A_2103 : f32 to vector<200x128xf32>
    %gt3A_2105 = arith.cmpf ogt, %select_n3A_2090, %gt3A_2104 : vector<200x128xf32>
    %not3A = arith.constant dense<true> : vector<200x128xi1>
    %not3A_2106 = arith.xori %ge3A_2102, %not3A : vector<200x128xi1>
    %and3A = arith.andi %gt3A_2105, %not3A_2106 : vector<200x128xi1>
    %and3A_2107 = arith.andi %ge3A_2102, %lt3A_46 : vector<200x128xi1>
    %jit3A = arith.constant 1.000000e+00 : f32
    %jit3A_2108 = arith.constant 0.000000e+00 : f32
    %broadcast_in_dim3A_2109 = vector.broadcast %jit3A : f32 to vector<200x128xf32>
    %broadcast_in_dim3A_2110 = vector.broadcast %jit3A_2108 : f32 to vector<200x128xf32>
    %select_n3A_2111 = arith.select %and3A_2107, %broadcast_in_dim3A_2109, %broadcast_in_dim3A_2110 : vector<200x128xi1>, vector<200x128xf32>
    %not3A_2112 = arith.constant dense<true> : vector<200x128xi1>
    %not3A_2113 = arith.xori %and3A, %not3A_2112 : vector<200x128xi1>
    %and3A_2114 = arith.andi %not3A_2113, %lt3A_46 : vector<200x128xi1>
    %jit3A_2115 = arith.constant 1.000000e+00 : f32
    %jit3A_2116 = arith.constant 0.000000e+00 : f32
    %broadcast_in_dim3A_2117 = vector.broadcast %jit3A_2115 : f32 to vector<200x128xf32>
    %broadcast_in_dim3A_2118 = vector.broadcast %jit3A_2116 : f32 to vector<200x128xf32>
    %select_n3A_2119 = arith.select %and3A_2114, %broadcast_in_dim3A_2117, %broadcast_in_dim3A_2118 : vector<200x128xi1>, vector<200x128xf32>
    %convert_element_type3A_2120 = arith.fptosi %select_n3A_2100 : vector<200x128xf32> to vector<200x128xi32>
    %jit3A_2121 = arith.constant -1 : i32
    %jit3A_2122 = arith.constant 0 : i32
    %broadcast_in_dim3A_2123 = vector.broadcast %jit3A_2121 : i32 to vector<200x128xi32>
    %broadcast_in_dim3A_2124 = vector.broadcast %jit3A_2122 : i32 to vector<200x128xi32>
    %select_n3A_2125 = arith.select %and3A, %broadcast_in_dim3A_2123, %broadcast_in_dim3A_2124 : vector<200x128xi1>, vector<200x128xi32>
    %select_n3A_2126 = arith.select %ge3A_2102, %convert_element_type3A_2120, %select_n3A_2125 : vector<200x128xi1>, vector<200x128xi32>
    %jit3A_2127 = arith.constant -1 : i32
    %broadcast_in_dim3A_2128 = vector.broadcast %jit3A_2127 : i32 to vector<200x128xi32>
    %select_n3A_2129 = arith.select %lt3A_46, %select_n3A_2126, %broadcast_in_dim3A_2128 : vector<200x128xi1>, vector<200x128xi32>
    %swap3A = arith.constant 0 : index
    %swap3A_2130 = arith.constant 0 : index
    %swap3A_2131 = arith.constant 0 : index
    %swap3A_2132 = vector.load %arg5[%swap3A, %swap3A_2130, %swap3A_2131] : memref<1x200x128xi32, #tpu.memory_space<vmem>>, vector<1x200x128xi32>
    %swap3A_2133 = vector.shape_cast %swap3A_2132 : vector<1x200x128xi32> to vector<200x128xi32>
    %swap3A_2134 = vector.shape_cast %select_n3A_2129 : vector<200x128xi32> to vector<1x200x128xi32>
    tpu.vector_store %arg5[%swap3A, %swap3A_2130, %swap3A_2131], %swap3A_2134 {strides = array<i32>} : memref<1x200x128xi32, #tpu.memory_space<vmem>>, vector<1x200x128xi32>,
    %add3A_2135 = arith.addf %select_n3A_2092, %select_n3A_2096 : vector<200x128xf32>
    %mul3A_2136 = arith.constant 5.000000e-01 : f32
    %mul3A_2137 = vector.broadcast %mul3A_2136 : f32 to vector<200x128xf32>
    %mul3A_2138 = arith.mulf %add3A_2135, %mul3A_2137 : vector<200x128xf32>
    %add3A_2139 = arith.addf %select_n3A_2094, %select_n3A_2098 : vector<200x128xf32>
    %mul3A_2140 = arith.constant 5.000000e-01 : f32
    %mul3A_2141 = vector.broadcast %mul3A_2140 : f32 to vector<200x128xf32>
    %mul3A_2142 = arith.mulf %add3A_2139, %mul3A_2141 : vector<200x128xf32>
    %sub3A_2143 = arith.subf %select_n3A_2096, %select_n3A_2092 : vector<200x128xf32>
    %max3A_2144 = arith.constant 9.99999997E-7 : f32
    %max3A_2145 = vector.broadcast %max3A_2144 : f32 to vector<200x128xf32>
    %max3A_2146 = arith.maximumf %sub3A_2143, %max3A_2145 : vector<200x128xf32>
    %sub3A_2147 = arith.subf %select_n3A_2098, %select_n3A_2094 : vector<200x128xf32>
    %max3A_2148 = arith.constant 9.99999997E-7 : f32
    %max3A_2149 = vector.broadcast %max3A_2148 : f32 to vector<200x128xf32>
    %max3A_2150 = arith.maximumf %sub3A_2147, %max3A_2149 : vector<200x128xf32>
    %sub3A_2151 = arith.subf %mul3A_2138, %get3A_3 : vector<200x128xf32>
    %mul3A_2152 = arith.constant 1.000000e-01 : f32
    %mul3A_2153 = vector.broadcast %mul3A_2152 : f32 to vector<200x128xf32>
    %mul3A_2154 = arith.mulf %get3A_13, %mul3A_2153 : vector<200x128xf32>
    %div3A_2155 = arith.divf %sub3A_2151, %mul3A_2154 : vector<200x128xf32>
    %sub3A_2156 = arith.subf %mul3A_2142, %get3A_8 : vector<200x128xf32>
    %mul3A_2157 = arith.constant 1.000000e-01 : f32
    %mul3A_2158 = vector.broadcast %mul3A_2157 : f32 to vector<200x128xf32>
    %mul3A_2159 = arith.mulf %get3A_18, %mul3A_2158 : vector<200x128xf32>
    %div3A_2160 = arith.divf %sub3A_2156, %mul3A_2159 : vector<200x128xf32>
    %div3A_2161 = arith.divf %max3A_2146, %get3A_13 : vector<200x128xf32>
    %log3A = math.log %div3A_2161 : vector<200x128xf32>
    %div3A_2162 = arith.constant 2.000000e-01 : f32
    %div3A_2163 = vector.broadcast %div3A_2162 : f32 to vector<200x128xf32>
    %div3A_2164 = arith.divf %log3A, %div3A_2163 : vector<200x128xf32>
    %div3A_2165 = arith.divf %max3A_2150, %get3A_18 : vector<200x128xf32>
    %log3A_2166 = math.log %div3A_2165 : vector<200x128xf32>
    %div3A_2167 = arith.constant 2.000000e-01 : f32
    %div3A_2168 = vector.broadcast %div3A_2167 : f32 to vector<200x128xf32>
    %div3A_2169 = arith.divf %log3A_2166, %div3A_2168 : vector<200x128xf32>
    %get3A_2170 = arith.constant 0 : index
    %get3A_2171 = arith.constant 0 : index
    %get3A_2172 = arith.constant 0 : index
    %get3A_2173 = arith.constant 0 : index
    %get3A_2174 = vector.load %arg2[%get3A_2170, %get3A_2171, %get3A_2172, %get3A_2173] : memref<1x4x200x128xf32, #tpu.memory_space<vmem>>, vector<1x1x200x128xf32>
    %get3A_2175 = vector.shape_cast %get3A_2174 : vector<1x1x200x128xf32> to vector<200x128xf32>
    %sub3A_2176 = arith.subf %get3A_2175, %div3A_2155 : vector<200x128xf32>
    %abs3A = math.absf %sub3A_2176 : vector<200x128xf32>
    %lt3A_2177 = arith.constant 1.000000e+00 : f32
    %lt3A_2178 = vector.broadcast %lt3A_2177 : f32 to vector<200x128xf32>
    %lt3A_2179 = arith.cmpf olt, %abs3A, %lt3A_2178 : vector<200x128xf32>
    %mul3A_2180 = arith.constant 5.000000e-01 : f32
    %mul3A_2181 = vector.broadcast %mul3A_2180 : f32 to vector<200x128xf32>
    %mul3A_2182 = arith.mulf %mul3A_2181, %sub3A_2176 : vector<200x128xf32>
    %mul3A_2183 = arith.mulf %mul3A_2182, %sub3A_2176 : vector<200x128xf32>
    %sub3A_2184 = arith.constant 5.000000e-01 : f32
    %sub3A_2185 = vector.broadcast %sub3A_2184 : f32 to vector<200x128xf32>
    %sub3A_2186 = arith.subf %abs3A, %sub3A_2185 : vector<200x128xf32>
    %select_n3A_2187 = arith.select %lt3A_2179, %mul3A_2183, %sub3A_2186 : vector<200x128xi1>, vector<200x128xf32>
    %get3A_2188 = arith.constant 0 : index
    %get3A_2189 = arith.constant 1 : index
    %get3A_2190 = arith.constant 0 : index
    %get3A_2191 = arith.constant 0 : index
    %get3A_2192 = vector.load %arg2[%get3A_2188, %get3A_2189, %get3A_2190, %get3A_2191] : memref<1x4x200x128xf32, #tpu.memory_space<vmem>>, vector<1x1x200x128xf32>
    %get3A_2193 = vector.shape_cast %get3A_2192 : vector<1x1x200x128xf32> to vector<200x128xf32>
    %sub3A_2194 = arith.subf %get3A_2193, %div3A_2160 : vector<200x128xf32>
    %abs3A_2195 = math.absf %sub3A_2194 : vector<200x128xf32>
    %lt3A_2196 = arith.constant 1.000000e+00 : f32
    %lt3A_2197 = vector.broadcast %lt3A_2196 : f32 to vector<200x128xf32>
    %lt3A_2198 = arith.cmpf olt, %abs3A_2195, %lt3A_2197 : vector<200x128xf32>
    %mul3A_2199 = arith.constant 5.000000e-01 : f32
    %mul3A_2200 = vector.broadcast %mul3A_2199 : f32 to vector<200x128xf32>
    %mul3A_2201 = arith.mulf %mul3A_2200, %sub3A_2194 : vector<200x128xf32>
    %mul3A_2202 = arith.mulf %mul3A_2201, %sub3A_2194 : vector<200x128xf32>
    %sub3A_2203 = arith.constant 5.000000e-01 : f32
    %sub3A_2204 = vector.broadcast %sub3A_2203 : f32 to vector<200x128xf32>
    %sub3A_2205 = arith.subf %abs3A_2195, %sub3A_2204 : vector<200x128xf32>
    %select_n3A_2206 = arith.select %lt3A_2198, %mul3A_2202, %sub3A_2205 : vector<200x128xi1>, vector<200x128xf32>
    %add3A_2207 = arith.addf %select_n3A_2187, %select_n3A_2206 : vector<200x128xf32>
    %get3A_2208 = arith.constant 0 : index
    %get3A_2209 = arith.constant 2 : index
    %get3A_2210 = arith.constant 0 : index
    %get3A_2211 = arith.constant 0 : index
    %get3A_2212 = vector.load %arg2[%get3A_2208, %get3A_2209, %get3A_2210, %get3A_2211] : memref<1x4x200x128xf32, #tpu.memory_space<vmem>>, vector<1x1x200x128xf32>
    %get3A_2213 = vector.shape_cast %get3A_2212 : vector<1x1x200x128xf32> to vector<200x128xf32>
    %sub3A_2214 = arith.subf %get3A_2213, %div3A_2164 : vector<200x128xf32>
    %abs3A_2215 = math.absf %sub3A_2214 : vector<200x128xf32>
    %lt3A_2216 = arith.constant 1.000000e+00 : f32
    %lt3A_2217 = vector.broadcast %lt3A_2216 : f32 to vector<200x128xf32>
    %lt3A_2218 = arith.cmpf olt, %abs3A_2215, %lt3A_2217 : vector<200x128xf32>
    %mul3A_2219 = arith.constant 5.000000e-01 : f32
    %mul3A_2220 = vector.broadcast %mul3A_2219 : f32 to vector<200x128xf32>
    %mul3A_2221 = arith.mulf %mul3A_2220, %sub3A_2214 : vector<200x128xf32>
    %mul3A_2222 = arith.mulf %mul3A_2221, %sub3A_2214 : vector<200x128xf32>
    %sub3A_2223 = arith.constant 5.000000e-01 : f32
    %sub3A_2224 = vector.broadcast %sub3A_2223 : f32 to vector<200x128xf32>
    %sub3A_2225 = arith.subf %abs3A_2215, %sub3A_2224 : vector<200x128xf32>
    %select_n3A_2226 = arith.select %lt3A_2218, %mul3A_2222, %sub3A_2225 : vector<200x128xi1>, vector<200x128xf32>
    %add3A_2227 = arith.addf %add3A_2207, %select_n3A_2226 : vector<200x128xf32>
    %get3A_2228 = arith.constant 0 : index
    %get3A_2229 = arith.constant 3 : index
    %get3A_2230 = arith.constant 0 : index
    %get3A_2231 = arith.constant 0 : index
    %get3A_2232 = vector.load %arg2[%get3A_2228, %get3A_2229, %get3A_2230, %get3A_2231] : memref<1x4x200x128xf32, #tpu.memory_space<vmem>>, vector<1x1x200x128xf32>
    %get3A_2233 = vector.shape_cast %get3A_2232 : vector<1x1x200x128xf32> to vector<200x128xf32>
    %sub3A_2234 = arith.subf %get3A_2233, %div3A_2169 : vector<200x128xf32>
    %abs3A_2235 = math.absf %sub3A_2234 : vector<200x128xf32>
    %lt3A_2236 = arith.constant 1.000000e+00 : f32
    %lt3A_2237 = vector.broadcast %lt3A_2236 : f32 to vector<200x128xf32>
    %lt3A_2238 = arith.cmpf olt, %abs3A_2235, %lt3A_2237 : vector<200x128xf32>
    %mul3A_2239 = arith.constant 5.000000e-01 : f32
    %mul3A_2240 = vector.broadcast %mul3A_2239 : f32 to vector<200x128xf32>
    %mul3A_2241 = arith.mulf %mul3A_2240, %sub3A_2234 : vector<200x128xf32>
    %mul3A_2242 = arith.mulf %mul3A_2241, %sub3A_2234 : vector<200x128xf32>
    %sub3A_2243 = arith.constant 5.000000e-01 : f32
    %sub3A_2244 = vector.broadcast %sub3A_2243 : f32 to vector<200x128xf32>
    %sub3A_2245 = arith.subf %abs3A_2235, %sub3A_2244 : vector<200x128xf32>
    %select_n3A_2246 = arith.select %lt3A_2238, %mul3A_2242, %sub3A_2245 : vector<200x128xi1>, vector<200x128xf32>
    %add3A_2247 = arith.addf %add3A_2227, %select_n3A_2246 : vector<200x128xf32>
    %reduce_sum3A = vector.shape_cast %select_n3A_2119 : vector<200x128xf32> to vector<1x200x128xf32>
    %reduce_sum3A_2248 = arith.constant dense<0.000000e+00> : vector<1xf32>
    %reduce_sum3A_2249 = vector.multi_reduction <add>, %reduce_sum3A, %reduce_sum3A_2248 [1, 2] : vector<1x200x128xf32> to vector<1xf32>
    %reduce_sum3A_2250 = vector.shape_cast %reduce_sum3A_2249 : vector<1xf32> to vector<1x1x1xf32>
    %reduce_sum3A_2251 = vector.extract %reduce_sum3A_2250[0, 0, 0] : f32 from vector<1x1x1xf32>
    %broadcast_in_dim3A_2252 = vector.broadcast %reduce_sum3A_2251 : f32 to vector<1x1xf32>
    %swap3A_2253 = arith.constant 0 : index
    %swap3A_2254 = arith.constant 0 : index
    %swap3A_2255 = arith.constant 0 : index
    %swap3A_2256 = vector.load %arg6[%swap3A_2253, %swap3A_2254, %swap3A_2255] : memref<1x1x1xf32, #tpu.memory_space<vmem>>, vector<1x1x1xf32>
    %swap3A_2257 = vector.shape_cast %swap3A_2256 : vector<1x1x1xf32> to vector<1x1xf32>
    %swap3A_2258 = vector.shape_cast %broadcast_in_dim3A_2252 : vector<1x1xf32> to vector<1x1x1xf32>
    tpu.vector_store %arg6[%swap3A_2253, %swap3A_2254, %swap3A_2255], %swap3A_2258 {strides = array<i32>} : memref<1x1x1xf32, #tpu.memory_space<vmem>>, vector<1x1x1xf32>,
    %reduce_sum3A_2259 = vector.shape_cast %select_n3A_2111 : vector<200x128xf32> to vector<1x200x128xf32>
    %reduce_sum3A_2260 = arith.constant dense<0.000000e+00> : vector<1xf32>
    %reduce_sum3A_2261 = vector.multi_reduction <add>, %reduce_sum3A_2259, %reduce_sum3A_2260 [1, 2] : vector<1x200x128xf32> to vector<1xf32>
    %reduce_sum3A_2262 = vector.shape_cast %reduce_sum3A_2261 : vector<1xf32> to vector<1x1x1xf32>
    %reduce_sum3A_2263 = vector.extract %reduce_sum3A_2262[0, 0, 0] : f32 from vector<1x1x1xf32>
    %broadcast_in_dim3A_2264 = vector.broadcast %reduce_sum3A_2263 : f32 to vector<1x1xf32>
    %swap3A_2265 = arith.constant 0 : index
    %swap3A_2266 = arith.constant 0 : index
    %swap3A_2267 = arith.constant 0 : index
    %swap3A_2268 = vector.load %arg7[%swap3A_2265, %swap3A_2266, %swap3A_2267] : memref<1x1x1xf32, #tpu.memory_space<vmem>>, vector<1x1x1xf32>
    %swap3A_2269 = vector.shape_cast %swap3A_2268 : vector<1x1x1xf32> to vector<1x1xf32>
    %swap3A_2270 = vector.shape_cast %broadcast_in_dim3A_2264 : vector<1x1xf32> to vector<1x1x1xf32>
    tpu.vector_store %arg7[%swap3A_2265, %swap3A_2266, %swap3A_2267], %swap3A_2270 {strides = array<i32>} : memref<1x1x1xf32, #tpu.memory_space<vmem>>, vector<1x1x1xf32>,
    %mul3A_2271 = arith.mulf %add3A_2247, %select_n3A_2111 : vector<200x128xf32>
    %reduce_sum3A_2272 = vector.shape_cast %mul3A_2271 : vector<200x128xf32> to vector<1x200x128xf32>
    %reduce_sum3A_2273 = arith.constant dense<0.000000e+00> : vector<1xf32>
    %reduce_sum3A_2274 = vector.multi_reduction <add>, %reduce_sum3A_2272, %reduce_sum3A_2273 [1, 2] : vector<1x200x128xf32> to vector<1xf32>
    %reduce_sum3A_2275 = vector.shape_cast %reduce_sum3A_2274 : vector<1xf32> to vector<1x1x1xf32>
    %reduce_sum3A_2276 = vector.extract %reduce_sum3A_2275[0, 0, 0] : f32 from vector<1x1x1xf32>
    %broadcast_in_dim3A_2277 = vector.broadcast %reduce_sum3A_2276 : f32 to vector<1x1xf32>
    %swap3A_2278 = arith.constant 0 : index
    %swap3A_2279 = arith.constant 0 : index
    %swap3A_2280 = arith.constant 0 : index
    %swap3A_2281 = vector.load %arg8[%swap3A_2278, %swap3A_2279, %swap3A_2280] : memref<1x1x1xf32, #tpu.memory_space<vmem>>, vector<1x1x1xf32>
    %swap3A_2282 = vector.shape_cast %swap3A_2281 : vector<1x1x1xf32> to vector<1x1xf32>
    %swap3A_2283 = vector.shape_cast %broadcast_in_dim3A_2277 : vector<1x1xf32> to vector<1x1x1xf32>
    tpu.vector_store %arg8[%swap3A_2278, %swap3A_2279, %swap3A_2280], %swap3A_2283 {strides = array<i32>} : memref<1x1x1xf32, #tpu.memory_space<vmem>>, vector<1x1x1xf32>,
    return
  }
  func.func @transform_0(%arg0: i32) -> (i32, i32, i32) {
    %c0_i32 = arith.constant 0 : i32
    %c0_i32_0 = arith.constant 0 : i32
    %c0_i32_1 = arith.constant 0 : i32
    %c0_i32_2 = arith.constant 0 : i32
    return %c0_i32, %c0_i32_0, %c0_i32_1 : i32, i32, i32
  }
  func.func @transform_1(%arg0: i32) -> (i32, i32, i32, i32) {
    %c0_i32 = arith.constant 0 : i32
    %c0_i32_0 = arith.constant 0 : i32
    %c0_i32_1 = arith.constant 0 : i32
    %c0_i32_2 = arith.constant 0 : i32
    return %arg0, %c0_i32, %c0_i32_0, %c0_i32_1 : i32, i32, i32, i32
  }
  func.func @transform_2(%arg0: i32) -> (i32, i32, i32) {
    %c0_i32 = arith.constant 0 : i32
    %c0_i32_0 = arith.constant 0 : i32
    %c0_i32_1 = arith.constant 0 : i32
    return %arg0, %c0_i32, %c0_i32_0 : i32, i32, i32
  }
  func.func @transform_3(%arg0: i32) -> (i32, i32, i32) {
    %c0_i32 = arith.constant 0 : i32
    %c0_i32_0 = arith.constant 0 : i32
    %c0_i32_1 = arith.constant 0 : i32
    return %arg0, %c0_i32, %c0_i32_0 : i32, i32, i32
  }
  func.func @transform_4(%arg0: i32) -> (i32, i32, i32) {
    %c0_i32 = arith.constant 0 : i32
    %c0_i32_0 = arith.constant 0 : i32
    %c0_i32_1 = arith.constant 0 : i32
    return %arg0, %c0_i32, %c0_i32_0 : i32, i32, i32
  }
  func.func @transform_5(%arg0: i32) -> (i32, i32, i32) {
    %c0_i32 = arith.constant 0 : i32
    %c0_i32_0 = arith.constant 0 : i32
    %c0_i32_1 = arith.constant 0 : i32
    return %arg0, %c0_i32, %c0_i32_0 : i32, i32, i32
  }
  func.func @transform_6(%arg0: i32) -> (i32, i32, i32) {
    %c0_i32 = arith.constant 0 : i32
    %c0_i32_0 = arith.constant 0 : i32
    %c0_i32_1 = arith.constant 0 : i32
    return %arg0, %c0_i32, %c0_i32_0 : i32, i32, i32
  }
  func.func @transform_7(%arg0: i32) -> (i32, i32, i32) {
    %c0_i32 = arith.constant 0 : i32
    %c0_i32_0 = arith.constant 0 : i32
    %c0_i32_1 = arith.constant 0 : i32
    return %arg0, %c0_i32, %c0_i32_0 : i32, i32, i32
  }
}

module attributes {stable_mosaic.version = 14 : i64} {
  func.func @_ce_body(%arg0: i32, %arg1: i32, %arg2: memref<1x5120x81xf32, #tpu.memory_space<vmem>>, %arg3: memref<1x1x1x5120xi32, #tpu.memory_space<vmem>>, %arg4: memref<1x1x1xf32, #tpu.memory_space<vmem>>, %arg5: memref<1x1x1xf32, #tpu.memory_space<vmem>>, %arg6: memref<1x1x1xf32, #tpu.memory_space<vmem>>, %arg7: memref<1x1xf32, #tpu.memory_space<vmem>>, %arg8: memref<5120x1xf32, #tpu.memory_space<vmem>>) attributes {dimension_semantics = [#tpu.dimension_semantics<arbitrary>, #tpu.dimension_semantics<arbitrary>], iteration_bounds = array<i64: 16, 5>, scalar_prefetch = 0 : i64, scratch_operands = 1 : i64, tpu.core_type = #tpu.core_type<tc>, window_params = [{transform_indices = @transform_0, window_bounds = array<i64: 1, 5120, 81>}, {transform_indices = @transform_1, window_bounds = array<i64: 1, 1, 1, 5120>}, {transform_indices = @transform_2, window_bounds = array<i64: 1, 1, 1>}, {transform_indices = @transform_3, window_bounds = array<i64: 1, 1, 1>}, {transform_indices = @transform_4, window_bounds = array<i64: 1, 1, 1>}, {pipeline_mode = #tpu.pipeline_mode<synchronous>, transform_indices = @transform_5, window_bounds = array<i64: 1, 1>}]} {
    %get3A = arith.constant 0 : index
    %get3A_0 = arith.constant 0 : index
    %get3A_1 = arith.constant 0 : index
    %get3A_2 = vector.load %arg2[%get3A, %get3A_0, %get3A_1] : memref<1x5120x81xf32, #tpu.memory_space<vmem>>, vector<1x5120x81xf32>
    %get3A_3 = vector.shape_cast %get3A_2 : vector<1x5120x81xf32> to vector<5120x81xf32>
    %exp3A = math.exp %get3A_3 : vector<5120x81xf32>
    %reduce_sum3A = arith.constant dense<0.000000e+00> : vector<5120xf32>
    %reduce_sum3A_4 = vector.multi_reduction <add>, %exp3A, %reduce_sum3A [1] : vector<5120x81xf32> to vector<5120xf32>
    %broadcast_in_dim3A = vector.shape_cast %reduce_sum3A_4 : vector<5120xf32> to vector<5120x1xf32>
    %log3A = math.log %broadcast_in_dim3A : vector<5120x1xf32>
    %get3A_5 = arith.constant 0 : index
    %get3A_6 = arith.constant 0 : index
    %get3A_7 = arith.constant 0 : index
    %get3A_8 = arith.constant 0 : index
    %get3A_9 = vector.load %arg3[%get3A_5, %get3A_6, %get3A_7, %get3A_8] : memref<1x1x1x5120xi32, #tpu.memory_space<vmem>>, vector<1x1x1x5120xi32>
    %get3A_10 = vector.shape_cast %get3A_9 : vector<1x1x1x5120xi32> to vector<1x5120xi32>
    %reshape3A = vector.shape_cast %get3A_10 : vector<1x5120xi32> to vector<5120x1xi32>
    %max3A = arith.constant 0 : i32
    %max3A_11 = vector.broadcast %max3A : i32 to vector<5120x1xi32>
    %max3A_12 = arith.maxsi %reshape3A, %max3A_11 : vector<5120x1xi32>
    %iota3A = tpu.iota {dimensions = array<i32: 1>} : vector<5120x81xi32>
    %eq3A = vector.broadcast %max3A_12 : vector<5120x1xi32> to vector<5120x81xi32>
    %eq3A_13 = arith.cmpi eq, %iota3A, %eq3A : vector<5120x81xi32>
    %jit3A = arith.constant 0.000000e+00 : f32
    %broadcast_in_dim3A_14 = vector.broadcast %jit3A : f32 to vector<5120x81xf32>
    %select_n3A = arith.select %eq3A_13, %get3A_3, %broadcast_in_dim3A_14 : vector<5120x81xi1>, vector<5120x81xf32>
    %reduce_sum3A_15 = arith.constant dense<0.000000e+00> : vector<5120xf32>
    %reduce_sum3A_16 = vector.multi_reduction <add>, %select_n3A, %reduce_sum3A_15 [1] : vector<5120x81xf32> to vector<5120xf32>
    %broadcast_in_dim3A_17 = vector.shape_cast %reduce_sum3A_16 : vector<5120xf32> to vector<5120x1xf32>
    %ge3A = arith.constant 0 : i32
    %ge3A_18 = vector.broadcast %ge3A : i32 to vector<5120x1xi32>
    %ge3A_19 = arith.cmpi sge, %reshape3A, %ge3A_18 : vector<5120x1xi32>
    %sub3A = arith.subf %log3A, %broadcast_in_dim3A_17 : vector<5120x1xf32>
    %jit3A_20 = arith.constant 0.000000e+00 : f32
    %broadcast_in_dim3A_21 = vector.broadcast %jit3A_20 : f32 to vector<5120x1xf32>
    %select_n3A_22 = arith.select %ge3A_19, %sub3A, %broadcast_in_dim3A_21 : vector<5120x1xi1>, vector<5120x1xf32>
    %eq3A_23 = arith.constant 0 : i32
    %eq3A_24 = arith.cmpi eq, %arg1, %eq3A_23 : i32
    %broadcast_in_dim3A_25 = arith.constant 0.000000e+00 : f32
    %broadcast_in_dim3A_26 = vector.broadcast %broadcast_in_dim3A_25 : f32 to vector<5120x1xf32>
    %get3A_27 = arith.constant 0 : index
    %get3A_28 = arith.constant 0 : index
    %get3A_29 = vector.load %arg8[%get3A_27, %get3A_28] : memref<5120x1xf32, #tpu.memory_space<vmem>>, vector<5120x1xf32>
    %select_n3A_30 = arith.select %eq3A_24, %broadcast_in_dim3A_26, %get3A_29 : vector<5120x1xf32>
    %add3A = arith.addf %select_n3A_30, %select_n3A_22 : vector<5120x1xf32>
    %swap3A = arith.constant 0 : index
    %swap3A_31 = arith.constant 0 : index
    %swap3A_32 = vector.load %arg8[%swap3A, %swap3A_31] : memref<5120x1xf32, #tpu.memory_space<vmem>>, vector<5120x1xf32>
    tpu.vector_store %arg8[%swap3A, %swap3A_31], %add3A {strides = array<i32>} : memref<5120x1xf32, #tpu.memory_space<vmem>>, vector<5120x1xf32>,
    %eq3A_33 = arith.constant 4 : i32
    %eq3A_34 = arith.cmpi eq, %arg1, %eq3A_33 : i32
    %convert_element_type3A = arith.extui %eq3A_34 : i1 to i32
    %cond3A = arith.constant 0 : i32
    %cond3A_35 = arith.cmpi ne, %convert_element_type3A, %cond3A : i32
    scf.if %cond3A_35 {
      %get3A_36 = arith.constant 0 : index
      %get3A_37 = arith.constant 0 : index
      %get3A_38 = vector.load %arg8[%get3A_36, %get3A_37] : memref<5120x1xf32, #tpu.memory_space<vmem>>, vector<5120x1xf32>
      %reduce_sum3A_39 = vector.shape_cast %get3A_38 : vector<5120x1xf32> to vector<1x5120x1xf32>
      %reduce_sum3A_40 = arith.constant dense<0.000000e+00> : vector<1xf32>
      %reduce_sum3A_41 = vector.multi_reduction <add>, %reduce_sum3A_39, %reduce_sum3A_40 [1, 2] : vector<1x5120x1xf32> to vector<1xf32>
      %reduce_sum3A_42 = vector.shape_cast %reduce_sum3A_41 : vector<1xf32> to vector<1x1x1xf32>
      %reduce_sum3A_43 = vector.extract %reduce_sum3A_42[0, 0, 0] : f32 from vector<1x1x1xf32>
      %broadcast_in_dim3A_44 = vector.broadcast %reduce_sum3A_43 : f32 to vector<1x1xf32>
      %get3A_45 = arith.constant 0 : index
      %get3A_46 = arith.constant 0 : index
      %get3A_47 = arith.constant 0 : index
      %get3A_48 = vector.load %arg4[%get3A_45, %get3A_46, %get3A_47] : memref<1x1x1xf32, #tpu.memory_space<vmem>>, vector<1x1x1xf32>
      %get3A_49 = vector.shape_cast %get3A_48 : vector<1x1x1xf32> to vector<1x1xf32>
      %reduce_sum3A_50 = vector.shape_cast %get3A_49 : vector<1x1xf32> to vector<1x1x1xf32>
      %reduce_sum3A_51 = arith.constant dense<0.000000e+00> : vector<1xf32>
      %reduce_sum3A_52 = vector.multi_reduction <add>, %reduce_sum3A_50, %reduce_sum3A_51 [1, 2] : vector<1x1x1xf32> to vector<1xf32>
      %reduce_sum3A_53 = vector.shape_cast %reduce_sum3A_52 : vector<1xf32> to vector<1x1x1xf32>
      %reduce_sum3A_54 = vector.extract %reduce_sum3A_53[0, 0, 0] : f32 from vector<1x1x1xf32>
      %broadcast_in_dim3A_55 = vector.broadcast %reduce_sum3A_54 : f32 to vector<1x1xf32>
      %get3A_56 = arith.constant 0 : index
      %get3A_57 = arith.constant 0 : index
      %get3A_58 = arith.constant 0 : index
      %get3A_59 = vector.load %arg5[%get3A_56, %get3A_57, %get3A_58] : memref<1x1x1xf32, #tpu.memory_space<vmem>>, vector<1x1x1xf32>
      %get3A_60 = vector.shape_cast %get3A_59 : vector<1x1x1xf32> to vector<1x1xf32>
      %reduce_sum3A_61 = vector.shape_cast %get3A_60 : vector<1x1xf32> to vector<1x1x1xf32>
      %reduce_sum3A_62 = arith.constant dense<0.000000e+00> : vector<1xf32>
      %reduce_sum3A_63 = vector.multi_reduction <add>, %reduce_sum3A_61, %reduce_sum3A_62 [1, 2] : vector<1x1x1xf32> to vector<1xf32>
      %reduce_sum3A_64 = vector.shape_cast %reduce_sum3A_63 : vector<1xf32> to vector<1x1x1xf32>
      %reduce_sum3A_65 = vector.extract %reduce_sum3A_64[0, 0, 0] : f32 from vector<1x1x1xf32>
      %broadcast_in_dim3A_66 = vector.broadcast %reduce_sum3A_65 : f32 to vector<1x1xf32>
      %get3A_67 = arith.constant 0 : index
      %get3A_68 = arith.constant 0 : index
      %get3A_69 = arith.constant 0 : index
      %get3A_70 = vector.load %arg6[%get3A_67, %get3A_68, %get3A_69] : memref<1x1x1xf32, #tpu.memory_space<vmem>>, vector<1x1x1xf32>
      %get3A_71 = vector.shape_cast %get3A_70 : vector<1x1x1xf32> to vector<1x1xf32>
      %reduce_sum3A_72 = vector.shape_cast %get3A_71 : vector<1x1xf32> to vector<1x1x1xf32>
      %reduce_sum3A_73 = arith.constant dense<0.000000e+00> : vector<1xf32>
      %reduce_sum3A_74 = vector.multi_reduction <add>, %reduce_sum3A_72, %reduce_sum3A_73 [1, 2] : vector<1x1x1xf32> to vector<1xf32>
      %reduce_sum3A_75 = vector.shape_cast %reduce_sum3A_74 : vector<1xf32> to vector<1x1x1xf32>
      %reduce_sum3A_76 = vector.extract %reduce_sum3A_75[0, 0, 0] : f32 from vector<1x1x1xf32>
      %broadcast_in_dim3A_77 = vector.broadcast %reduce_sum3A_76 : f32 to vector<1x1xf32>
      %gt3A = arith.constant 0.000000e+00 : f32
      %gt3A_78 = vector.broadcast %gt3A : f32 to vector<1x1xf32>
      %gt3A_79 = arith.cmpf ogt, %broadcast_in_dim3A_55, %gt3A_78 : vector<1x1xf32>
      %max3A_80 = arith.constant 1.000000e+00 : f32
      %max3A_81 = vector.broadcast %max3A_80 : f32 to vector<1x1xf32>
      %max3A_82 = arith.maximumf %broadcast_in_dim3A_55, %max3A_81 : vector<1x1xf32>
      %div3A = arith.divf %broadcast_in_dim3A_44, %max3A_82 : vector<1x1xf32>
      %jit3A_83 = arith.constant 0.000000e+00 : f32
      %broadcast_in_dim3A_84 = vector.broadcast %jit3A_83 : f32 to vector<1x1xf32>
      %select_n3A_85 = arith.select %gt3A_79, %div3A, %broadcast_in_dim3A_84 : vector<1x1xi1>, vector<1x1xf32>
      %gt3A_86 = arith.constant 0.000000e+00 : f32
      %gt3A_87 = vector.broadcast %gt3A_86 : f32 to vector<1x1xf32>
      %gt3A_88 = arith.cmpf ogt, %broadcast_in_dim3A_66, %gt3A_87 : vector<1x1xf32>
      %mul3A = arith.constant 4.000000e+00 : f32
      %mul3A_89 = vector.broadcast %mul3A : f32 to vector<1x1xf32>
      %mul3A_90 = arith.mulf %broadcast_in_dim3A_66, %mul3A_89 : vector<1x1xf32>
      %max3A_91 = arith.constant 1.000000e+00 : f32
      %max3A_92 = vector.broadcast %max3A_91 : f32 to vector<1x1xf32>
      %max3A_93 = arith.maximumf %mul3A_90, %max3A_92 : vector<1x1xf32>
      %div3A_94 = arith.divf %broadcast_in_dim3A_77, %max3A_93 : vector<1x1xf32>
      %jit3A_95 = arith.constant 0.000000e+00 : f32
      %broadcast_in_dim3A_96 = vector.broadcast %jit3A_95 : f32 to vector<1x1xf32>
      %select_n3A_97 = arith.select %gt3A_88, %div3A_94, %broadcast_in_dim3A_96 : vector<1x1xi1>, vector<1x1xf32>
      %mul3A_98 = arith.constant 1.000000e+00 : f32
      %mul3A_99 = vector.broadcast %mul3A_98 : f32 to vector<1x1xf32>
      %mul3A_100 = arith.mulf %mul3A_99, %select_n3A_97 : vector<1x1xf32>
      %add3A_101 = arith.addf %select_n3A_85, %mul3A_100 : vector<1x1xf32>
      %eq3A_102 = arith.constant 0 : i32
      %eq3A_103 = arith.cmpi eq, %arg0, %eq3A_102 : i32
      %broadcast_in_dim3A_104 = arith.constant 0.000000e+00 : f32
      %broadcast_in_dim3A_105 = vector.broadcast %broadcast_in_dim3A_104 : f32 to vector<1x1xf32>
      %get3A_106 = arith.constant 0 : index
      %get3A_107 = arith.constant 0 : index
      %get3A_108 = vector.load %arg7[%get3A_106, %get3A_107] : memref<1x1xf32, #tpu.memory_space<vmem>>, vector<1x1xf32>
      %select_n3A_109 = arith.select %eq3A_103, %broadcast_in_dim3A_105, %get3A_108 : vector<1x1xf32>
      %add3A_110 = arith.addf %select_n3A_109, %add3A_101 : vector<1x1xf32>
      %swap3A_111 = arith.constant 0 : index
      %swap3A_112 = arith.constant 0 : index
      %swap3A_113 = vector.load %arg7[%swap3A_111, %swap3A_112] : memref<1x1xf32, #tpu.memory_space<vmem>>, vector<1x1xf32>
      tpu.vector_store %arg7[%swap3A_111, %swap3A_112], %add3A_110 {strides = array<i32>} : memref<1x1xf32, #tpu.memory_space<vmem>>, vector<1x1xf32>,
    } else {
    }
    return
  }
  func.func @transform_0(%arg0: i32, %arg1: i32) -> (i32, i32, i32) {
    %c0_i32 = arith.constant 0 : i32
    %c0_i32_0 = arith.constant 0 : i32
    return %arg0, %arg1, %c0_i32 : i32, i32, i32
  }
  func.func @transform_1(%arg0: i32, %arg1: i32) -> (i32, i32, i32, i32) {
    %c0_i32 = arith.constant 0 : i32
    %c0_i32_0 = arith.constant 0 : i32
    %c0_i32_1 = arith.constant 0 : i32
    return %arg0, %arg1, %c0_i32, %c0_i32_0 : i32, i32, i32, i32
  }
  func.func @transform_2(%arg0: i32, %arg1: i32) -> (i32, i32, i32) {
    %c0_i32 = arith.constant 0 : i32
    %c0_i32_0 = arith.constant 0 : i32
    %c0_i32_1 = arith.constant 0 : i32
    return %arg0, %c0_i32, %c0_i32_0 : i32, i32, i32
  }
  func.func @transform_3(%arg0: i32, %arg1: i32) -> (i32, i32, i32) {
    %c0_i32 = arith.constant 0 : i32
    %c0_i32_0 = arith.constant 0 : i32
    %c0_i32_1 = arith.constant 0 : i32
    return %arg0, %c0_i32, %c0_i32_0 : i32, i32, i32
  }
  func.func @transform_4(%arg0: i32, %arg1: i32) -> (i32, i32, i32) {
    %c0_i32 = arith.constant 0 : i32
    %c0_i32_0 = arith.constant 0 : i32
    %c0_i32_1 = arith.constant 0 : i32
    return %arg0, %c0_i32, %c0_i32_0 : i32, i32, i32
  }
  func.func @transform_5(%arg0: i32, %arg1: i32) -> (i32, i32) {
    %c0_i32 = arith.constant 0 : i32
    %c0_i32_0 = arith.constant 0 : i32
    %c0_i32_1 = arith.constant 0 : i32
    return %c0_i32, %c0_i32_0 : i32, i32
  }
}

</mosaic_0001>

<sc_bundles>
// kernel: gather_offload_async_start
scs
__scs_entry_jumppad:
0x0: {  	(pc) =	sbr.rel $0x88, $3  }
0x1: {  	(tag) =	ssettag $0x0;
	lr =	simm.s32 $0x1  }
0x2: {  	[smem:$0x3F9C] =	sst lr;
	_ =	strace $0xD0000000  }
0x3: {  	_ = 	snop  }
0x4: {  	_ = 	snop  }
0x5: {  	_ = 	snop  }
0x6: {  	_ = 	snop  }
0x7: {  	_ = 	snop  }
__scs_overlays_trampoline_lowered:
0x8: {  	[smem:$0x3FAB] =	sst s0  }
0x9: {  	[smem:$0x3FAC] =	sst s1  }
0xa: {  	[smem:$0x3FAD] =	sst s2  }
0xb: {  	[smem:$0x3FAE] =	sst s3  }
0xc: {  	[smem:$0x3FAF] =	sst s4  }
0xd: {  	[smem:$0x3FB0] =	sst s5  }
0xe: {  	[smem:$0x3FB1] =	sst s6  }
0xf: {  	[smem:$0x3FB2] =	sst s7  }
0x10: {  	[smem:$0x3FB3] =	sst s8  }
0x11: {  	[smem:$0x3FB4] =	sst s9;
	s0 =	simm.s32 @!p0 $0x0  }
0x12: {  	s1 =	sld [smem:$0x3F9A];
	s0 =	simm.s32 @p0 $0x1  }
0x13: {  	[smem:$0x3FB5] =	sst s0;
	s0 =	simm.s32 @!p1 $0x0  }
0x14: {  	s2 =	sld [smem:$0x3F99];
	s0 =	simm.s32 @p1 $0x1  }
0x15: {  	[smem:$0x3FB6] =	sst s0;
	s0 =	simm.s32 @!p2 $0x0  }
0x16: {  	s3 =	sld [smem:$0x3FDB];
	s0 =	simm.s32 @p2 $0x1  }
0x17: {  	s4 =	simm.s32 $0x1BF5;
	[smem:$0x3FB8] =	sst s0  }
0x18: {  	s0 =	sld [smem:$0x3F9B];
	_ =	swait.ge [sflag:s4], $0x0  }
0x19: {  	s7 =	sld [smem:$0x3F9C]  }
0x1a: {  	s8 =	sadd.s32 $0xFFFFE003, lr  }
0x1b: {  	s9 =	sadd.s32 $0xFFFFFEF7, lr;
	s5 =	simm.s32 $0xFFFFFFFF;
	p2 =	slt.u32 s8, $0xFFFFF086  }
0x1c: {  	p1 =	slt.u32 s9, $0xF7A;
	s5 =	simm.s32 @!p2 $0x0  }
0x1d: {  	s5 =	simm.s32 @p1 $0x1;
	p0 =	seq.s32 s7, s2  }
0x1e: {  	s7 =	smul.u32 @!p0 $0xF7A, s2;
	p2 =	seq.s32 @!p0 s5, $0x0  }
0x1f: {  	s9 =	smul.u32 $0xF7A, s1;
	s8 =	simm.s32 @!p0 $0x1BF5;
	p2 =	por !p2, p0  }
0x20: {  	[sflag:s8] =	ssyncset.s32 @!p0 $0xFFFFF086;
	s6 =	sadd.s32 @!p0 s3, s7;
	s7 =	simm.s32 @!p0 $0x108  }
0x21: {  	s3 =	sadd.s32 s3, s9;
	s6 =	sadd.s32 @!p0 $0x88, s6;
	s7 =	simm.s32 @p2 $0x1082  }
0x22: {  	[simem:s7], [sflag:s8] =	dma.local @!p0 [hbm:s6], $0xF7A  }
0x23: {  	s9 =	sor.u32 $0xD0000000, s2;
	s6 =	simm.s32 $0x108;
	_ =	swait.ge @!p0 [sflag:s8], $0x0  }
0x24: {  	s3 =	sadd.s32 $0x88, s3;
	s6 =	simm.s32 @!p1 $0x1082;
	[sflag:s4] =	ssyncset.s32 $0xFFFFF086  }
0x25: {  	[simem:s6], [sflag:s4] =	dma.local [hbm:s3], $0xF7A  }
0x26: {  	[smem:$0x3F9C] =	sst s1;
	(tag) =	ssettag s2;
	_ =	strace s9  }
0x27: {  	s1 =	sld [smem:$0x3FAC]  }
0x28: {  	s2 =	sld [smem:$0x3FAD]  }
0x29: {  	s4 =	sld [smem:$0x3FAF]  }
0x2a: {  	p0 =	seq.s32 s5, $0x0;
	s5 =	sld [smem:$0x3FB0]  }
0x2b: {  	s6 =	sld [smem:$0x3FB1]  }
0x2c: {  	s7 =	sld [smem:$0x3FB2]  }
0x2d: {  	s3 =	simm.s32 $0x108;
	s8 =	sld [smem:$0x3FB3]  }
0x2e: {  	s3 =	simm.s32 @!p0 $0x1082;
	s9 =	sld [smem:$0x3FB4]  }
0x2f: {  	lr =	sadd.s32 s0, s3;
	s0 =	sld [smem:$0x3FAB]  }
0x30: {  	s3 =	sld [smem:$0x3FAE]  }
0x31: {  	[smem:$0x3FB7] =	sst s10  }
0x32: {  	s10 =	sld [smem:$0x3FB5];
	_ =	sdelay $0x3  }
0x33: {  	p0 =	seq.s32 s10, $0x1;
	s10 =	sld [smem:$0x3FB7];
	_ =	sdelay $0x3  }
0x34: {  	[smem:$0x3FB7] =	sst s10  }
0x35: {  	s10 =	sld [smem:$0x3FB6];
	_ =	sdelay $0x3  }
0x36: {  	p1 =	seq.s32 s10, $0x1;
	s10 =	sld [smem:$0x3FB7];
	_ =	sdelay $0x3  }
0x37: {  	[smem:$0x3FB7] =	sst s10  }
0x38: {  	s10 =	sld [smem:$0x3FB8]  }
0x39: {  	_ = 	snop;
	(pc) =	sbr.ind lr, $3  }
0x3a: {  	_ = 	snop  }
0x3b: {  	_ = 	snop  }
0x3c: {  	p2 =	seq.s32 s10, $0x1;
	s10 =	sld [smem:$0x3FB7]  }
0x3d: {  	_ =	shalt  }
0x3e: {  	_ =	shalt  }
0x3f: {  	_ =	shalt  }
0x40: {  	_ =	shalt  }
0x41: {  	_ =	shalt  }
0x42: {  	_ =	shalt  }
0x43: {  	_ =	shalt  }
0x44: {  	_ =	shalt  }
0x45: {  	_ =	shalt  }
0x46: {  	_ =	shalt  }
0x47: {  	_ =	shalt  }
0x48: {  	_ =	shalt  }
0x49: {  	_ =	shalt  }
0x4a: {  	_ =	shalt  }
0x4b: {  	_ =	shalt  }
0x4c: {  	_ =	shalt  }
0x4d: {  	_ =	shalt  }
0x4e: {  	_ =	shalt  }
0x4f: {  	_ =	shalt  }
0x50: {  	_ =	shalt  }
0x51: {  	_ =	shalt  }
0x52: {  	_ =	shalt  }
0x53: {  	_ =	shalt  }
0x54: {  	_ =	shalt  }
0x55: {  	_ =	shalt  }
0x56: {  	_ =	shalt  }
0x57: {  	_ =	shalt  }
0x58: {  	_ =	shalt  }
0x59: {  	_ =	shalt  }
0x5a: {  	_ =	shalt  }
0x5b: {  	_ =	shalt  }
0x5c: {  	_ =	shalt  }
0x5d: {  	_ =	shalt  }
0x5e: {  	_ =	shalt  }
0x5f: {  	_ =	shalt  }
0x60: {  	_ =	shalt  }
0x61: {  	_ =	shalt  }
0x62: {  	_ =	shalt  }
0x63: {  	_ =	shalt  }
0x64: {  	_ =	shalt  }
0x65: {  	_ =	shalt  }
0x66: {  	_ =	shalt  }
0x67: {  	_ =	shalt  }
0x68: {  	_ =	shalt  }
0x69: {  	_ =	shalt  }
0x6a: {  	_ =	shalt  }
0x6b: {  	_ =	shalt  }
0x6c: {  	_ =	shalt  }
0x6d: {  	_ =	shalt  }
0x6e: {  	_ =	shalt  }
0x6f: {  	_ =	shalt  }
0x70: {  	_ =	shalt  }
0x71: {  	_ =	shalt  }
0x72: {  	_ =	shalt  }
0x73: {  	_ =	shalt  }
0x74: {  	_ =	shalt  }
0x75: {  	_ =	shalt  }
0x76: {  	_ =	shalt  }
0x77: {  	_ =	shalt  }
0x78: {  	_ =	shalt  }
0x79: {  	_ =	shalt  }
0x7a: {  	_ =	shalt  }
0x7b: {  	_ =	shalt  }
0x7c: {  	_ =	shalt  }
0x7d: {  	_ =	shalt  }
0x7e: {  	_ =	shalt  }
0x7f: {  	_ =	shalt  }
0x80: {  	_ =	shalt  }
0x81: {  	_ =	shalt  }
0x82: {  	_ =	shalt  }
0x83: {  	_ =	shalt  }
0x84: {  	_ =	shalt  }
0x85: {  	_ =	shalt  }
0x86: {  	_ =	shalt  }
0x87: {  	_ =	shalt  }
.Lfunc_end0:
.L_simem_size_0:
called_computation_lowered:
.L_overlay_start_0:
0x88: {  	s2 =	sld [smem:$0x3FD9]  }
0x89: {  	s3 =	sld [smem:$0x3FFE];
	_ =	sdelay $0x1  }
0x8a: {  	s1 =	srdreg.scid  }
0x8b: {  	s0 =	sand.u32 $0x1, s1  }
0x8c: {  	s16 =	sshll.u32 s0, $0xA;
	s2 =	sadd.s32 s3, s2  }
0x8d: {  	s2 =	sadd.s32 s2, s16  }
0x8e: {  	[smem:$0x3FC3] =	sst s2  }
0x8f: {  	_ = 	snop  }
0x90: {  	(tm) =	ssettm $0x1  }
0x91: {  	s17 =	sld [smem:$0x3FFB];
	_ =	sdelay $0x3  }
0x92: {  	_ =	strace s17  }
0x93: {  	s2 =	sld [smem:$0x3FFC];
	_ =	sdelay $0x3  }
0x94: {  	_ =	strace s2  }
0x95: {  	s2 =	sld [smem:$0x3FFD];
	_ =	sdelay $0x3  }
0x96: {  	_ =	strace s2  }
0x97: {  	_ =	strace $0x8FFFFFFF  }
0x98: {  	s18 =	sld [smem:$0x3FDB];
	_ =	sdelay $0x1  }
0x99: {  	s19 =	simm.s32 $_scs_section_size  }
0x9a: {  	s4 =	simm.s32 $_size__tile_overlayer_lowered;
	s5 =	simm.s32 $_tile_overlayer_lowered  }
0x9b: {  	s22 =	simm.s32 $0x1BFF;
	s21 =	sshll.u32 s5, $0x1;
	s2 =	sadd.s32 s19, s18  }
0x9c: {  	s6 =	simm.s32 $0x0;
	s20 =	sshll.u32 s4, $0x1;
	s4 =	sadd.s32 s21, s2  }
0x9d: {  	[timem:s6], [sflag:s22] =	dma.local [hbm:s4], s20  }
0x9e: {  	_ =	swait.ge [sflag:s22], s20  }
0x9f: {  	s3 =	ssub.s32 $0x0, s20;
	[sflag:s22] =	ssyncset.done $0x0  }
0xa0: {  	[sflag:s22] =	ssyncadd.s32 s3;
	_ =	sdelay $0x1  }
0xa1: {  	s23 =	simm.s32 $0x1B8B  }
0xa2: {  	_ =	swait.ge [sflag:s23], $0x1  }
0xa3: {  	[sflag:s23] =	ssyncset.done $0x0  }
0xa4: {  	s25 =	simm.s32 $0x1B8E;
	s24 =	sld [smem:$0x3FFE];
	[sflag:s23] =	ssyncadd.s32 $0xFFFFFFFF  }
0xa5: {  	s26 =	simm.s32 $execute0_lowered;
	[smem:$0x3FD2] =	sst s25  }
0xa6: {  	s4 =	sshll.u32 s26, $0x1;
	_ =	strace $0x80000046;
	[dreg:$0x1] =	wrdreg $0xFFFFFFFF  }
0xa7: {  	s28 =	simm.s32 $_size_execute0_lowered;
	s2 =	sadd.s32 s2, s4;
	[dreg:$0x0] =	wrdreg $0x0  }
0xa8: {  	s4 =	sshll.u32 s28, $0x1;
	[dreg:$0x2] =	wrdreg s2  }
0xa9: {  	[dreg:$0x3] =	wrdreg s4  }
0xaa: {  	[dreg:$0x4] =	wrdreg $0xC0  }
0xab: {  	_ =	task [dreg:s6], $0x5FFFF  }
0xac: {  	[dreg:$0x1] =	wrdreg $0xFFFFFFFF  }
0xad: {  	[dreg:$0x0] =	wrdreg $0x60  }
0xae: {  	[dreg:$0x2] =	wrdreg s24  }
0xaf: {  	[dreg:$0x3] =	wrdreg $0x9  }
0xb0: {  	_ =	task.clear_ibuf [dreg:s6], $0x4FFFF;
	_ =	strace $0x90000046  }
0xb1: {  	s29 =	simm.s32 $0x9;
	_ =	strace $0x80000048  }
0xb2: {  	_ =	swait.ge [sflag:s29], $0x1  }
0xb3: {  	[sflag:s29] =	ssyncadd.s32 $0xFFFFFFFF  }
0xb4: {  	_ =	strace $0x90000048  }
0xb5: {  	_ =	sfence  }
0xb6: {  	s30 =	sld [smem:$0x0];
	_ =	sdelay $0x2  }
0xb7: {  	s31 =	sshll.u32 s1, $0xD;
	s1 =	sshrl.u32 s1, $0x2  }
0xb8: {  	s3 =	sand.u32 $0x4000, s31;
	s1 =	sadd.s32 s1, s30  }
0xb9: {  	s0 =	sor.u32 s3, s0;
	s1 =	sshll.u32 s1, $0x11  }
0xba: {  	s0 =	sor.u32 s1, s0  }
0xbb: {  	s0 =	sadd.s32 $0x8F2B, s0  }
0xbc: {  	[sflag:s0] =	ssyncadd.remote.s32 $0x1  }
0xbd: {  	_ =	sfence.sel $0xFFFF  }
0xbe: {  	[dreg:$0x0] =	wrdreg $0xFFFFFFFF;
	(pc) =	sbr.abs _section_cstart, $3  }
0xbf: {  	[dreg:$0x1] =	wrdreg $0xFFFFFFFF  }
0xc0: {  	_ =	task.clear_ibuf [dreg:s6], $0x2FFFF;
	_ =	strace $0x9FFFFFFF  }
0xc1: {  	(tm) =	ssettm $0x7FFFFFFF  }
tec
execute0_lowered:
.L_overlay_start_1:
0x0: {  	(tag) =	ssettag $0x1  }
0x1: {  	s7 =	rddreg [dreg:$0x0]  }
0x2: {  	s1 =	srdreg.scid;
	s0 =	rddreg [dreg:$0x1]  }
0x3: {  	_ =	strace $0x80000047;
	s3 =	simm.s32 $0x1;
	s5 =	simm.s32 $0x2  }
0x4: {  	s9 =	simm.s32 $0x3;
	s11 =	simm.s32 $0x0;
	s2 =	sshll.u32 s1, $0x4  }
.Ltmp0:
0x5: {  	s1 =	stileid.u32;
	s4 =	sand.u32 $0x10, s2;
	(pc) =	sbr.rel .LBB2_1-.Ltmp0, $4  }
0x6: {  	p0 =	por $0x0, $0x0;
	[sflag:s3] =	ssyncpa.u1 $0x0;
	s4 =	sor.u32 s1, s4  }
0x7: {  	s6 =	sadd.s32 $0xE00, s7;
	[sflag:s5] =	ssyncpa.u1 $0x0;
	s4 =	smul.u32 $0xC80, s4  }
0x8: {  	s2 =	sadd.s32 $0x18AA00, s7;
	s7 =	sadd.s32 $0x31AA00, s7;
	[sflag:s9] =	ssyncpa.u1 $0x0  }
0x9: {  	vm0 =	vmmov $0xff;
	vm1 =	vcmask $0x3F20;
	s9 =	simm.s32 $0x0;
	s8 =	sadd.s32 $0xC80, s4;
	s10 =	smov.u32 s4  }
.LBB2_6:
0xa: {  	[hbm:s15] =	stream.linear.scatter [tilespmem:s12], [sflag:$0x3], $0x400, $0x38;
	[tilespmem:$0x14280] =	vst v63  }
.LBB2_7:
0xb: {  	p1 =	slt.u32 s9, $0x2;
	s11 =	sadd.s32 $0x140, s10  }
0xc: {  	s13 =	smov.u32 s4;
	s9 =	sadd.s32 $0x1, s9;
	p2 =	slt.s32 s11, s8  }
0xd: {  	s13 =	smov.u32 @p2 s11;
	p2 =	sne.s32 s9, $0xC  }
.Ltmp1:
0xe: {  	_ = 	snop;
	(pc) =	sbr.rel @!p2 .LBB2_8-.Ltmp1, $4  }
0xf: {  	s12 =	simm.s32 @!p1 $0x3  }
0x10: {  	_ =	swait.ge @!p1 [sflag:s12], $0xA000  }
0x11: {  	p0 =	por !p0, !p0;
	[sflag:s12] =	ssyncset.done @!p1 $0x0  }
0x12: {  	s11 =	smov.u32 s10;
	s10 =	smov.u32 s13;
	[sflag:s12] =	ssyncadd.s32 @!p1 $0xFFFF6000  }
.LBB2_1:
0x13: {  	p1 =	sgt.u32 s9, $0x9  }
0x14: {  	s12 =	sxor.u32 @!p1 $0xFFFFFFFF, s9  }
0x15: {  	s12 =	sand.u32 @!p1 $0x1, s12  }
0x16: {  	s12 =	smul.u32 @!p1 $0x500, s12  }
0x17: {  	s31 =	sadd.s32 $0xFFFFFFFF, s9;
	s13 =	sshrl.u32 @!p1 s10, $0x3  }
0x18: {  	s14 =	sand.u32 @!p1 $0x7, s10;
	s13 =	sadd.s32 @!p1 s6, s13;
	s12 =	sshrl.u32 @!p1 s12, $0x2  }
0x19: {  	[tilespmem:s12], [sflag:$0x2] =	stream.linear.gather @!p1 [hbm4b:s13+s14], $0x140, $0x38;
	[tilespmem:$0x14280] =	vst v63  }
0x1a: {  	p1 =	sgt.u32 s31, $0x9  }
.Ltmp2:
0x1b: {  	_ = 	snop;
	(pc) =	sbr.rel @p1 .LBB2_7-.Ltmp2, $1  }
0x1c: {  	_ =	sdelay $0x3  }
0x1d: {  	s12 =	simm.s32 $0x1  }
0x1e: {  	s12 =	simm.s32 @!p0 $0x0  }
0x1f: {  	s13 =	smul.u32 $0x500, s12  }
0x20: {  	_ =	swait.ge [sflag:s5], $0x140  }
0x21: {  	[sflag:s5] =	ssyncset.done $0x0;
	s14 =	sshrl.u32 s13, $0x2  }
0x22: {  	[sflag:s5] =	ssyncadd.s32 $0xFFFFFEC0;
	s13 =	sadd.s32 $0x0, s14  }
0x23: {  	v0 =	vld.msk [tilespmem:s13+$0x0 ss:$0x1], $0xffff;
	_ =	sdelay $0x4  }
0x24: {  	vm2 =	vgt.s32 v0, $0x0  }
0x25: {  	v0 =	vnsel vm2, $0x0, v0  }
0x26: {  	v0 =	vmin.u32 v0, $0x18FFF  }
0x27: {  	v0 =	vshll.u32 v0, $0x4  }
0x28: {  	s12 =	smul.u32 $0x28000, s12;
	_ =	sdelay $0x1  }
0x29: {  	s12 =	sshrl.u32 s12, $0x2  }
0x2a: {  	s12 =	sor.u32 $0x280, s12  }
0x2b: {  	[tilespmem:s12], [sflag:$0x1] =	stream.indirect_vreg.gather [hbm:s2], $0x80, v0, vm0, $0x38;
	[tilespmem:$0x14280] =	vst v63  }
0x2c: {  	s15 =	sadd.s32 $0x10, s14;
	s13 =	sadd.s32 $0x400, s12  }
0x2d: {  	[tilespmem:s13], [sflag:$0x1] =	stream.indirect_vreg.gather [hbm:s2], $0x80, v0, vm1, $0x38;
	[tilespmem:$0x14280] =	vst v63  }
0x2e: {  	s16 =	simm.s32 $0x80;
	v0 =	vld.msk [tilespmem:s15+$0x0 ss:$0x1], $0xffff;
	s15 =	smov.u32 s12  }
.LBB2_3:
0x2f: {  	p1 =	sne.s32 s16, $0x4C0;
	_ =	sdelay $0x4  }
0x30: {  	vm2 =	vgt.s32 v0, $0x0  }
0x31: {  	v0 =	vnsel vm2, $0x0, v0  }
0x32: {  	v0 =	vmin.u32 v0, $0x18FFF  }
0x33: {  	v0 =	vshll.u32 v0, $0x4;
	_ =	sdelay $0x3  }
.Ltmp3:
0x34: {  	s17 =	sshra.s32 s16, $0x2;
	s15 =	sadd.s32 $0x800, s15;
	(pc) =	sbr.rel @p1 .LBB2_3-.Ltmp3, $4  }
0x35: {  	[tilespmem:s15], [sflag:$0x1] =	stream.indirect_vreg.gather [hbm:s2], $0x80, v0, vm0, $0x38;
	[tilespmem:$0x14280] =	vst v63  }
0x36: {  	s17 =	sadd.s32 s17, s14;
	s18 =	sadd.s32 $0x400, s15  }
0x37: {  	[tilespmem:s18], [sflag:$0x1] =	stream.indirect_vreg.gather [hbm:s2], $0x80, v0, vm1, $0x38;
	[tilespmem:$0x14280] =	vst v63  }
0x38: {  	s16 =	sadd.s32 $0x40, s16;
	v0 =	vld.msk [tilespmem:s17+$0x0 ss:$0x1], $0xffff  }
0x39: {  	_ =	sdelay $0x3  }
0x3a: {  	vm2 =	vgt.s32 v0, $0x0  }
0x3b: {  	v0 =	vnsel vm2, $0x0, v0  }
0x3c: {  	v0 =	vmin.u32 v0, $0x18FFF  }
0x3d: {  	v0 =	vshll.u32 v0, $0x4;
	_ =	sdelay $0x3  }
0x3e: {  	s14 =	sadd.s32 $0x800, s15  }
0x3f: {  	[tilespmem:s14], [sflag:$0x1] =	stream.indirect_vreg.gather [hbm:s2], $0x80, v0, vm0, $0x38;
	[tilespmem:$0x14280] =	vst v63  }
0x40: {  	s14 =	sadd.s32 $0x400, s14  }
0x41: {  	[tilespmem:s14], [sflag:$0x1] =	stream.indirect_vreg.gather [hbm:s2], $0x80, v0, vm1, $0x38;
	[tilespmem:$0x14280] =	vst v63  }
0x42: {  	s11 =	sshll.u32 s11, $0x4;
	_ =	swait.ge [sflag:s3], $0xA000  }
0x43: {  	s11 =	sadd.s32 s11, s7;
	[sflag:s3] =	ssyncset.done $0x0  }
0x44: {  	s15 =	sadd.s32 $0x0, s11;
	s14 =	simm.s32 $0x80;
	[sflag:s3] =	ssyncadd.s32 $0xFFFF6000  }
.LBB2_5:
0x45: {  	[hbm:s15] =	stream.linear.scatter [tilespmem:s12], [sflag:$0x3], $0x400, $0x38;
	[tilespmem:$0x14280] =	vst v63  }
0x46: {  	s15 =	smov.u32 s14;
	s12 =	smov.u32 s13;
	p1 =	sne.s32 s14, $0x1380  }
.Ltmp4:
0x47: {  	s14 =	sadd.s32 $0x80, s14;
	(pc) =	sbr.rel @p1 .LBB2_5-.Ltmp4, $2  }
0x48: {  	_ =	sdelay $0x2  }
0x49: {  	s13 =	sadd.s32 $0x400, s13;
	s15 =	sadd.s32 s15, s11  }
.Ltmp5:
0x4a: {  	_ = 	snop;
	(pc) =	sbr.rel .LBB2_6-.Ltmp5, $1  }
0x4b: {  	_ =	sdelay $0x3  }
.LBB2_8:
0x4c: {  	_ =	sfence.sel $0x180000  }
0x4d: {  	s2 =	simm.s32 $0x2;
	[bflag:$0x0] =	sbarrier.arrive $0xFFFF  }
0x4e: {  	s30 =	simm.s32 $0x3;
	[sflag:s2] =	ssyncpa.u1 $0x1  }
0x4f: {  	s31 =	simm.s32 $0x1;
	[sflag:s30] =	ssyncpa.u1 $0x1  }
0x50: {  	[sflag:s31] =	ssyncpa.u1 $0x1  }
0x51: {  	p0 =	sne.s32 s1, $0x0;
	_ =	strace $0x90000047  }
0x52: {  	s0 =	sadd.s32 @!p0 $0x100000, s0;
	[bflag:$0x2] =	sbarrier.arrive $0xFFFF  }
0x53: {  	[sflag:s0] =	ssyncadd.tile.s32 @!p0 $0x1;
	_ =	shalt  }
.Lfunc_end2:
_tile_overlayer_lowered:
.L_overlay_start_2:
0x54: {  	(tag) =	ssettag $0x2  }
0x55: {  	s0 =	rddreg [dreg:$0x0];
	s2 =	stileid.u32  }
0x56: {  	s1 =	rddreg [dreg:$0x1];
	p0 =	sne.s32 s2, $0x0  }
0x57: {  	s3 =	rddreg [dreg:$0x2];
	[bflag:$0x3] =	sbarrier.arrive $0xFFFF;
	s2 =	simm.s32 @!p0 $0x1C01  }
0x58: {  	[timem:s3], [sflag:s2] =	dma.local @!p0 [hbm:s0], s1  }
0x59: {  	s0 =	simm.s32 @!p0 $0x1  }
0x5a: {  	_ =	swait.ge @!p0 [sflag:s0], s1  }
0x5b: {  	s1 =	ssub.s32 @!p0 $0x0, s1;
	[sflag:s0] =	ssyncset.done @!p0 $0x0  }
0x5c: {  	[sflag:s0] =	ssyncadd.s32 @!p0 s1  }
0x5d: {  	[bflag:$0x3] =	sbarrier.arrive $0xFFFF  }
0x5e: {  	_ =	shalt  }

</sc_bundles>
